<compile_context>
chip_gen: v7x
topology: tpu7x:2x2x1
jax: 0.10.2.dev20260603
libtpu: 0.0.44.dev20260713+nightly
codegen_flags: <defaults>
</compile_context>

<pallas_src>
import functools

import jax
import jax.numpy as jnp
from jax import lax
from jax.experimental import pallas as pl
from jax.experimental.pallas import tpu as pltpu
from jax.experimental.pallas import tpu_sc as plsc

_K = 256
_NB = 8
_C = 256
_V = 32768


def _score_body(w_ref, f_ref, o_ref):
    o_ref[0] = jax.lax.dot_general(
        w_ref[...], f_ref[0],
        (((1,), (0,)), ((), ())),
        preferred_element_type=jnp.float32,
    )


def _scores(fmap3, w2d):
    B, C, V = fmap3.shape
    VT = 8192
    out = pl.pallas_call(
        _score_body,
        grid=(B, V // VT),
        in_specs=[
            pl.BlockSpec((1, C), lambda b, j: (0, 0)),
            pl.BlockSpec((1, C, VT), lambda b, j: (b, 0, j)),
        ],
        out_specs=pl.BlockSpec((1, 1, VT), lambda b, j: (b, 0, j)),
        out_shape=jax.ShapeDtypeStruct((B, 1, V), jnp.float32),
    )(w2d, fmap3)
    return out.reshape(B, V)


_MESH = plsc.VectorSubcoreMesh(core_axis_name="c", subcore_axis_name="s")


def _find_boundary(hist_ref, ngroups, kth):

    def cond(st):
        g, acc = st
        gs = jnp.sum(hist_ref[pl.ds(g * 16, 16)])
        return acc + gs < kth

    def body(st):
        g, acc = st
        gs = jnp.sum(hist_ref[pl.ds(g * 16, 16)])
        return (g - 1, acc + gs)

    g, acc = lax.while_loop(cond, body, (jnp.int32(ngroups - 1), jnp.int32(0)))
    vec = hist_ref[pl.ds(g * 16, 16)]
    r = lax.rev(vec, (0,))
    cumr = plsc.cumsum(r)
    m = (acc + cumr) >= kth
    lane = plsc.all_reduce_ffs(m)
    lanevec = lax.iota(jnp.int32, 16)
    above = acc + jnp.sum(jnp.where(lanevec == lane, cumr - r, 0))
    bucket = g * 16 + 15 - lane
    return bucket, above


def _topk_body(s_hbm, idx_hbm, sv, uv, h1, h2, h3, idxbuf, tiebuf,
               gmax, glist):
    wid = lax.axis_index("c") * 16 + lax.axis_index("s")

    @pl.when(wid % 4 == 0)
    def _():
        b = wid // 4
        pltpu.sync_copy(s_hbm.at[b], sv)
        zero16 = jnp.zeros((16,), jnp.int32)
        ones16 = jnp.ones((16,), jnp.int32)
        lanevec = lax.iota(jnp.int32, 16)

        def zero_all(i, _):
            h1[pl.ds(i * 16, 16)] = zero16
            h2[pl.ds(i * 16, 16)] = zero16
            return 0

        lax.fori_loop(0, 128, zero_all, 0)

        def zero_h3(i, _):
            h3[pl.ds(i * 16, 16)] = zero16
            return 0

        lax.fori_loop(0, 64, zero_h3, 0)

        def p1(g, _):
            x = sv[pl.ds(g * 16, 16)]
            bi = lax.bitcast_convert_type(x, jnp.int32)
            ui = jnp.where(bi < 0, ~bi, bi ^ jnp.int32(-(2 ** 31)))
            u = lax.bitcast_convert_type(ui, jnp.uint32)
            uv[pl.ds(g * 16, 16)] = u
            plsc.addupdate_scatter(h1, [(u >> 21).astype(jnp.int32)], ones16)
            gms = jnp.max(
                lax.bitcast_convert_type(u ^ jnp.uint32(2 ** 31), jnp.int32))
            plsc.store_scatter(gmax, [lanevec * 0 + g],
                               jnp.zeros((16,), jnp.int32) + gms,
                               mask=lanevec == 0)
            return 0

        lax.fori_loop(0, _V // 16, p1, 0)
        kk = jnp.int32(_K)
        b1, a1 = _find_boundary(h1, 128, kk)
        b1u = b1.astype(jnp.uint32)

        thr = lax.bitcast_convert_type(
            (b1u << 21) ^ jnp.uint32(2 ** 31), jnp.int32)

        def bg(g2, n):
            gv = gmax[pl.ds(g2 * 16, 16)]
            m = gv >= thr
            c = plsc.cumsum(m.astype(jnp.int32))
            plsc.store_scatter(glist, [n + c - 1], g2 * 16 + lanevec, mask=m)
            return n + jnp.sum(m.astype(jnp.int32))

        nact = lax.fori_loop(0, 128, bg, jnp.int32(0))

        def p2(i, _):
            g = glist[pl.ds(i, 16)][0]
            u = uv[pl.ds(g * 16, 16)]
            m = (u >> 21) == b1u
            plsc.addupdate_scatter(
                h2, [((u >> 10) & 2047).astype(jnp.int32)], ones16, mask=m)
            return 0

        lax.fori_loop(0, nact, p2, 0)
        b2, a2 = _find_boundary(h2, 128, kk - a1)

        pref = ((b1 << 11) | b2).astype(jnp.uint32)

        def p3(i, _):
            g = glist[pl.ds(i, 16)][0]
            u = uv[pl.ds(g * 16, 16)]
            m = (u >> 10) == pref
            plsc.addupdate_scatter(
                h3, [(u & 1023).astype(jnp.int32)], ones16, mask=m)
            return 0

        lax.fori_loop(0, nact, p3, 0)
        b3, a3 = _find_boundary(h3, 64, kk - a1 - a2)

        tval = ((b1.astype(jnp.uint32) << 21)
                | (b2.astype(jnp.uint32) << 10)
                | b3.astype(jnp.uint32))
        n_tie = kk - a1 - a2 - a3

        def pe(i, st):
            ngt, ntie = st
            g = glist[pl.ds(i, 16)][0]
            u = uv[pl.ds(g * 16, 16)]
            iv = g * 16 + lanevec
            mg = u > tval
            cg = plsc.cumsum(mg.astype(jnp.int32))
            plsc.store_scatter(idxbuf, [ngt + cg - 1], iv, mask=mg)
            me = u == tval
            ce = plsc.cumsum(me.astype(jnp.int32))
            mk = me & ((ntie + ce) <= n_tie)
            plsc.store_scatter(tiebuf, [ntie + ce - 1], iv, mask=mk)
            return (ngt + jnp.sum(mg.astype(jnp.int32)),
                    ntie + jnp.sum(mk.astype(jnp.int32)))

        ngt, _nt = lax.fori_loop(0, nact, pe, (jnp.int32(0), jnp.int32(0)))

        def pa(g, _):
            iv = g * 16 + lanevec
            plsc.store_scatter(idxbuf, [ngt + iv],
                               tiebuf[pl.ds(g * 16, 16)], mask=iv < n_tie)
            return 0

        lax.fori_loop(0, _K // 16, pa, 0)
        pltpu.sync_copy(idxbuf, idx_hbm.at[pl.ds(b * _K, _K)])


def _sc_topk(s):
    @functools.partial(
        pl.kernel,
        out_type=jax.ShapeDtypeStruct((_NB * _K,), jnp.int32),
        mesh=_MESH,
        compiler_params=pltpu.CompilerParams(needs_layout_passes=False),
        scratch_types=[
            pltpu.VMEM((_V,), jnp.float32),
            pltpu.VMEM((_V,), jnp.uint32),
            pltpu.VMEM((2048,), jnp.int32),
            pltpu.VMEM((2048,), jnp.int32),
            pltpu.VMEM((1024,), jnp.int32),
            pltpu.VMEM((_K,), jnp.int32),
            pltpu.VMEM((_K,), jnp.int32),
            pltpu.VMEM((2048,), jnp.int32),
            pltpu.VMEM((2064,), jnp.int32),
        ],
    )
    def k(s_hbm, idx_hbm, sv, uv, h1, h2, h3, idxbuf, tiebuf, gmax, glist):
        _topk_body(s_hbm, idx_hbm, sv, uv, h1, h2, h3, idxbuf, tiebuf,
                   gmax, glist)

    return k(s)


def _gather_body(f_hbm, idx_hbm, out_hbm, idxv, fl2d, vals2d, outv, sem):
    wid = lax.axis_index("c") * 16 + lax.axis_index("s")
    b = wid // 4
    part = wid % 4
    pltpu.sync_copy(idx_hbm.at[pl.ds(b * _K, _K)], idxv)

    def fb(r, _):
        ch = b * _C + part * 64 + r // 2
        base = ch * _V
        off = (r % 2) * 128
        for g in range(8):
            fl2d[r, pl.ds(g * 16, 16)] = idxv[pl.ds(off + g * 16, 16)] + base
        return 0

    lax.fori_loop(0, 128, fb, 0)

    def gb(cidx, _):
        descs = []
        for j in range(8):
            r = cidx * 8 + j
            descs.append(
                pltpu.async_copy(f_hbm.at[fl2d.at[r]], vals2d.at[r], sem))
        for d in descs:
            d.wait()
        return 0

    lax.fori_loop(0, 16, gb, 0)

    lanevec = lax.iota(jnp.int32, 16)

    def rb(c, _):
        acc = jnp.zeros((16,), jnp.float32)
        for g in range(8):
            acc = acc + vals2d[2 * c, pl.ds(g * 16, 16)]
        for g in range(8):
            acc = acc + vals2d[2 * c + 1, pl.ds(g * 16, 16)]
        tot = jnp.sum(acc) * (1.0 / _K)
        plsc.store_scatter(outv, [lanevec * 0 + c],
                           jnp.zeros((16,), jnp.float32) + tot,
                           mask=lanevec == 0)
        return 0

    lax.fori_loop(0, 64, rb, 0)
    pltpu.sync_copy(outv, out_hbm.at[pl.ds(wid * 64, 64)])


def _sc_gather(fmap3, idxflat):
    @functools.partial(
        pl.kernel,
        out_type=jax.ShapeDtypeStruct((4 * _NB * 64,), jnp.float32),
        mesh=_MESH,
        compiler_params=pltpu.CompilerParams(needs_layout_passes=False),
        scratch_types=[
            pltpu.VMEM((_K,), jnp.int32),
            pltpu.VMEM((128, 128), jnp.int32),
            pltpu.VMEM((128, 128), jnp.float32),
            pltpu.VMEM((64,), jnp.float32),
            pltpu.SemaphoreType.DMA,
        ],
    )
    def k(f_hbm, idx_hbm, out_hbm, idxv, fl2d, vals2d, outv, sem):
        _gather_body(f_hbm, idx_hbm, out_hbm, idxv, fl2d, vals2d, outv, sem)

    return k(fmap3, idxflat)


def kernel(Fmap, score_w, score_b):
    B, C, D, H, W = Fmap.shape
    V = D * H * W
    fmap3 = Fmap.reshape(B, C, V)
    s = _scores(fmap3, score_w.reshape(1, C))
    idx = _sc_topk(s)
    out32 = _sc_gather(Fmap.reshape(B * C * V), idx)
    return out32.reshape(B, 4, 64).reshape(B, C)

# --- scband reference (transcript-rebuilt; emitter-appended) ---
"""Pipeline reference for scband-top-kpool3-d-31482110280280 (READ-ONLY COPY).

The authoritative reference and input builder live on the scoring server;
editing this copy changes nothing except your own understanding.
"""

import jax, jax.numpy as jnp
import numpy as np

K_TOP = 256

def setup_inputs(seed: int = 0) -> dict:
    key = jax.random.key(seed)
    k1, k2, k3 = jax.random.split(key, 3)
    Fmap = jax.random.normal(k1, (8, 256, 32, 32, 32), dtype=jnp.float32)
    # Conv3d(c_in, 1, kernel_size=1) == per-voxel linear projection over channels
    score_w = jax.random.normal(k2, (256,), dtype=jnp.float32) * (1.0 / np.sqrt(256.0))
    score_b = jax.random.normal(k3, (1,), dtype=jnp.float32) * 0.05
    return {"Fmap": Fmap, "score_w": score_w, "score_b": score_b}

def reference(Fmap, score_w, score_b):
    B, C, D, H, W = Fmap.shape
    # 1x1x1 conv -> channel dot product per voxel
    s = jnp.einsum('bcdhw,c->bdhw', Fmap, score_w) + score_b[0]
    s = s.reshape(B, -1)
    k = min(K_TOP, s.shape[1])
    _, idx = jax.lax.top_k(s, k)  # idx: [B, k]
    flat = Fmap.reshape(B, C, -1)  # [B, C, DHW]
    idx_b = jnp.broadcast_to(idx[:, None, :], (B, C, k))
    gathered = jnp.take_along_axis(flat, idx_b, axis=2)  # [B, C, k]
    return gathered.mean(axis=2)  # [B, C]

if __name__ == "__main__":
    import jax
    _d = setup_inputs()
    print(jax.jit(kernel)(*tuple(_d.values())))

</pallas_src>

<mosaic_0001>
#map = affine_map<(d0, d1) -> (0, 0)>
#map1 = affine_map<(d0, d1) -> (0)>
module attributes {stable_mosaic.version = 14 : i64} {
  func.func @k(%arg0: i32, %arg1: i32, %arg2: memref<8x32768xf32, #tpu.memory_space<hbm>>, %arg3: memref<2048xi32, #tpu.memory_space<hbm>>, %arg4: memref<32768xf32, #tpu.memory_space<vmem>>, %arg5: memref<32768xi32, #tpu.memory_space<vmem>>, %arg6: memref<2048xi32, #tpu.memory_space<vmem>>, %arg7: memref<2048xi32, #tpu.memory_space<vmem>>, %arg8: memref<1024xi32, #tpu.memory_space<vmem>>, %arg9: memref<256xi32, #tpu.memory_space<vmem>>, %arg10: memref<256xi32, #tpu.memory_space<vmem>>, %arg11: memref<2048xi32, #tpu.memory_space<vmem>>, %arg12: memref<2064xi32, #tpu.memory_space<vmem>>) attributes {dimension_semantics = [#tpu.dimension_semantics<core_parallel>, #tpu.dimension_semantics<subcore_parallel>], iteration_bounds = array<i64: 2, 16>, scalar_prefetch = 0 : i64, scratch_operands = 9 : i64, tpu.core_type = #tpu.core_type<sc_vector_subcore>, window_params = [{transform_indices = #map}, {transform_indices = #map1}]} {
    %mul3A = arith.constant 16 : i32
    %mul3A_0 = arith.muli %arg0, %mul3A : i32
    %add3A = arith.addi %mul3A_0, %arg1 : i32
    %jit3A = arith.constant 4 : i32
    %eq3A = arith.constant 0 : i32
    %eq3A_1 = arith.cmpi eq, %jit3A, %eq3A : i32
    %jit3A_2 = arith.constant 1 : i32
    %select_n3A = arith.select %eq3A_1, %jit3A_2, %jit3A : i32
    %rem3A = arith.remsi %add3A, %select_n3A : i32
    %ne3A = arith.constant 0 : i32
    %ne3A_3 = arith.cmpi ne, %rem3A, %ne3A : i32
    %lt3A = arith.constant 0 : i32
    %lt3A_4 = arith.cmpi slt, %rem3A, %lt3A : i32
    %lt3A_5 = arith.constant 0 : i32
    %lt3A_6 = arith.cmpi slt, %select_n3A, %lt3A_5 : i32
    %ne3A_7 = arith.xori %lt3A_4, %lt3A_6 : i1
    %and3A = arith.andi %ne3A_7, %ne3A_3 : i1
    %add3A_8 = arith.addi %rem3A, %select_n3A : i32
    %select_n3A_9 = arith.select %and3A, %add3A_8, %rem3A : i32
    %eq3A_10 = arith.constant 0 : i32
    %eq3A_11 = arith.cmpi eq, %select_n3A_9, %eq3A_10 : i32
    %convert_element_type3A = arith.extui %eq3A_11 : i1 to i32
    %cond3A = arith.constant 0 : i32
    %cond3A_12 = arith.cmpi ne, %convert_element_type3A, %cond3A : i32
    scf.if %cond3A_12 {
      %jit3A_13 = arith.constant 4 : i32
      %div3A = arith.divsi %add3A, %jit3A_13 : i32
      %sign3A = arith.constant 0 : i32
      %sign3A_14 = arith.cmpi sgt, %add3A, %sign3A : i32
      %sign3A_15 = arith.extui %sign3A_14 : i1 to i32
      %sign3A_16 = arith.constant 0 : i32
      %sign3A_17 = arith.cmpi slt, %add3A, %sign3A_16 : i32
      %sign3A_18 = arith.extui %sign3A_17 : i1 to i32
      %sign3A_19 = arith.subi %sign3A_15, %sign3A_18 : i32
      %sign3A_20 = arith.constant 0 : i32
      %sign3A_21 = arith.cmpi sgt, %jit3A_13, %sign3A_20 : i32
      %sign3A_22 = arith.extui %sign3A_21 : i1 to i32
      %sign3A_23 = arith.constant 0 : i32
      %sign3A_24 = arith.cmpi slt, %jit3A_13, %sign3A_23 : i32
      %sign3A_25 = arith.extui %sign3A_24 : i1 to i32
      %sign3A_26 = arith.subi %sign3A_22, %sign3A_25 : i32
      %ne3A_27 = arith.cmpi ne, %sign3A_19, %sign3A_26 : i32
      %rem3A_28 = arith.remsi %add3A, %jit3A_13 : i32
      %ne3A_29 = arith.constant 0 : i32
      %ne3A_30 = arith.cmpi ne, %rem3A_28, %ne3A_29 : i32
      %and3A_31 = arith.andi %ne3A_27, %ne3A_30 : i1
      %sub3A = arith.constant 1 : i32
      %sub3A_32 = arith.subi %div3A, %sub3A : i32
      %select_n3A_33 = arith.select %and3A_31, %sub3A_32, %div3A : i32
      "tpu.region"() ({
        %run_scoped3A = tpu.sem_alloc : memref<!tpu.dma_semaphore, #tpu.memory_space<semaphore_mem>>
        %dma_start3A = arith.constant 0 : i32
        %dma_start3A_240 = tpu.memref_slice %arg2[%select_n3A_33, %dma_start3A] : memref<8x32768xf32, #tpu.memory_space<hbm>> -> memref<1x32768xf32, #tpu.memory_space<hbm>>
        %dma_start3A_241 = tpu.memref_squeeze %dma_start3A_240 : memref<1x32768xf32, #tpu.memory_space<hbm>> -> memref<32768xf32, #tpu.memory_space<hbm>>
        %dma_start3A_242 = arith.constant 0 : i32
        %dma_start3A_243 = tpu.memref_slice %arg2[%select_n3A_33, %dma_start3A_242] : memref<8x32768xf32, #tpu.memory_space<hbm>> -> memref<1x32768xf32, #tpu.memory_space<hbm>>
        %dma_start3A_244 = tpu.memref_squeeze %dma_start3A_243 : memref<1x32768xf32, #tpu.memory_space<hbm>> -> memref<32768xf32, #tpu.memory_space<hbm>>
        tpu.enqueue_dma source(%dma_start3A_244 : memref<32768xf32, #tpu.memory_space<hbm>>) target(%arg4 : memref<32768xf32, #tpu.memory_space<vmem>>) target_semaphore(%run_scoped3A : memref<!tpu.dma_semaphore, #tpu.memory_space<semaphore_mem>>)
        %dma_wait3A = arith.constant 0 : i32
        %dma_wait3A_245 = tpu.memref_slice %arg2[%select_n3A_33, %dma_wait3A] : memref<8x32768xf32, #tpu.memory_space<hbm>> -> memref<1x32768xf32, #tpu.memory_space<hbm>>
        %dma_wait3A_246 = tpu.memref_squeeze %dma_wait3A_245 : memref<1x32768xf32, #tpu.memory_space<hbm>> -> memref<32768xf32, #tpu.memory_space<hbm>>
        %dma_wait3A_247 = arith.constant 0 : i32
        %dma_wait3A_248 = tpu.memref_slice %arg2[%select_n3A_33, %dma_wait3A_247] : memref<8x32768xf32, #tpu.memory_space<hbm>> -> memref<1x32768xf32, #tpu.memory_space<hbm>>
        %dma_wait3A_249 = tpu.memref_squeeze %dma_wait3A_248 : memref<1x32768xf32, #tpu.memory_space<hbm>> -> memref<32768xf32, #tpu.memory_space<hbm>>
        tpu.wait_dma2 semaphore(%run_scoped3A : memref<!tpu.dma_semaphore, #tpu.memory_space<semaphore_mem>>) src(%dma_wait3A_249 : memref<32768xf32, #tpu.memory_space<hbm>>) dst(%arg4 : memref<32768xf32, #tpu.memory_space<vmem>>)
        tpu.yield
      }) : () -> ()
      %broadcast_in_dim3A = arith.constant 0 : i32
      %broadcast_in_dim3A_34 = vector.broadcast %broadcast_in_dim3A : i32 to vector<16xi32>
      %broadcast_in_dim3A_35 = arith.constant 1 : i32
      %broadcast_in_dim3A_36 = vector.broadcast %broadcast_in_dim3A_35 : i32 to vector<16xi32>
      %iota3A = tpu.iota {dimensions = array<i32: 0>} : vector<16xi32>
      %scan3A = arith.constant 0 : i32
      %scan3A_37 = arith.constant 0 : i32
      %scan3A_38 = arith.constant 128 : i32
      %scan3A_39 = arith.addi %scan3A_37, %scan3A_38 : i32
      %scan3A_40 = arith.constant 1 : i32
      %scan3A_41 = scf.for %scan3A_240 = %scan3A_37 to %scan3A_39 step %scan3A_40 iter_args(%scan3A_241 = %scan3A) -> (i32)  : i32 {
        %mul3A_242 = arith.constant 16 : i32
        %mul3A_243 = arith.muli %scan3A_240, %mul3A_242 : i32
        %swap3A = arith.index_cast %mul3A_243 : i32 to index
        %swap3A_244 = tpu.vector_load %arg6[%swap3A] {strides = array<i32>} : memref<2048xi32, #tpu.memory_space<vmem>>, vector<16xi32>,
        tpu.vector_store %arg6[%swap3A], %broadcast_in_dim3A_34 {strides = array<i32>} : memref<2048xi32, #tpu.memory_space<vmem>>, vector<16xi32>,
        %mul3A_245 = arith.constant 16 : i32
        %mul3A_246 = arith.muli %scan3A_240, %mul3A_245 : i32
        %swap3A_247 = arith.index_cast %mul3A_246 : i32 to index
        %swap3A_248 = tpu.vector_load %arg7[%swap3A_247] {strides = array<i32>} : memref<2048xi32, #tpu.memory_space<vmem>>, vector<16xi32>,
        tpu.vector_store %arg7[%swap3A_247], %broadcast_in_dim3A_34 {strides = array<i32>} : memref<2048xi32, #tpu.memory_space<vmem>>, vector<16xi32>,
        %scan3A_249 = arith.constant 0 : i32
        scf.yield %scan3A_249 : i32
      }
      %scan3A_42 = arith.constant 128 : i32
      %scan3A_43 = arith.constant 0 : i32
      %scan3A_44 = arith.constant 0 : i32
      %scan3A_45 = arith.constant 64 : i32
      %scan3A_46 = arith.addi %scan3A_44, %scan3A_45 : i32
      %scan3A_47 = arith.constant 1 : i32
      %scan3A_48 = scf.for %scan3A_240 = %scan3A_44 to %scan3A_46 step %scan3A_47 iter_args(%scan3A_241 = %scan3A_43) -> (i32)  : i32 {
        %mul3A_242 = arith.constant 16 : i32
        %mul3A_243 = arith.muli %scan3A_240, %mul3A_242 : i32
        %swap3A = arith.index_cast %mul3A_243 : i32 to index
        %swap3A_244 = tpu.vector_load %arg8[%swap3A] {strides = array<i32>} : memref<1024xi32, #tpu.memory_space<vmem>>, vector<16xi32>,
        tpu.vector_store %arg8[%swap3A], %broadcast_in_dim3A_34 {strides = array<i32>} : memref<1024xi32, #tpu.memory_space<vmem>>, vector<16xi32>,
        %scan3A_245 = arith.constant 0 : i32
        scf.yield %scan3A_245 : i32
      }
      %scan3A_49 = arith.constant 64 : i32
      %scan3A_50 = arith.constant 0 : i32
      %scan3A_51 = arith.constant 0 : i32
      %scan3A_52 = arith.constant 2048 : i32
      %scan3A_53 = arith.addi %scan3A_51, %scan3A_52 : i32
      %scan3A_54 = arith.constant 1 : i32
      %scan3A_55 = scf.for %scan3A_240 = %scan3A_51 to %scan3A_53 step %scan3A_54 iter_args(%scan3A_241 = %scan3A_50) -> (i32)  : i32 {
        %mul3A_242 = arith.constant 16 : i32
        %mul3A_243 = arith.muli %scan3A_240, %mul3A_242 : i32
        %get3A_244 = arith.index_cast %mul3A_243 : i32 to index
        %get3A_245 = tpu.vector_load %arg4[%get3A_244] {strides = array<i32>} : memref<32768xf32, #tpu.memory_space<vmem>>, vector<16xf32>,
        %bitcast_convert_type3A_246 = tpu.bitcast %get3A_245 : vector<16xf32> -> vector<16xi32>
        %lt3A_247 = arith.constant 0 : i32
        %lt3A_248 = vector.broadcast %lt3A_247 : i32 to vector<16xi32>
        %lt3A_249 = arith.cmpi slt, %bitcast_convert_type3A_246, %lt3A_248 : vector<16xi32>
        %not3A = arith.constant dense<-1> : vector<16xi32>
        %not3A_250 = arith.xori %bitcast_convert_type3A_246, %not3A : vector<16xi32>
        %xor3A_251 = arith.constant -2147483648 : i32
        %xor3A_252 = vector.broadcast %xor3A_251 : i32 to vector<16xi32>
        %xor3A_253 = arith.xori %bitcast_convert_type3A_246, %xor3A_252 : vector<16xi32>
        %select_n3A_254 = arith.select %lt3A_249, %not3A_250, %xor3A_253 : vector<16xi1>, vector<16xi32>
        %bitcast_convert_type3A_255 = tpu.bitcast %select_n3A_254 : vector<16xi32> -> vector<16xi32>
        %mul3A_256 = arith.constant 16 : i32
        %mul3A_257 = arith.muli %scan3A_240, %mul3A_256 : i32
        %swap3A = arith.index_cast %mul3A_257 : i32 to index
        %swap3A_258 = tpu.vector_load %arg5[%swap3A] {strides = array<i32>} : memref<32768xi32, #tpu.memory_space<vmem>>, vector<16xi32>,
        tpu.vector_store %arg5[%swap3A], %bitcast_convert_type3A_255 {strides = array<i32>} : memref<32768xi32, #tpu.memory_space<vmem>>, vector<16xi32>,
        %shift_right_logical3A = arith.constant 21 : i32
        %shift_right_logical3A_259 = vector.broadcast %shift_right_logical3A : i32 to vector<16xi32>
        %shift_right_logical3A_260 = arith.shrui %bitcast_convert_type3A_255, %shift_right_logical3A_259 : vector<16xi32>
        tpu.vector_store_idx %arg6[%shift_right_logical3A_260], %broadcast_in_dim3A_36 {add = true} : memref<2048xi32, #tpu.memory_space<vmem>>[vector<16xi32>], vector<16xi32>,
        %xor3A_261 = arith.constant -2147483648 : i32
        %xor3A_262 = vector.broadcast %xor3A_261 : i32 to vector<16xi32>
        %xor3A_263 = arith.xori %bitcast_convert_type3A_255, %xor3A_262 : vector<16xi32>
        %bitcast_convert_type3A_264 = tpu.bitcast %xor3A_263 : vector<16xi32> -> vector<16xi32>
        %reduce_max3A = arith.constant true
        %reduce_max3A_265 = vector.broadcast %reduce_max3A : i1 to vector<16xi1>
        %reduce_max3A_266 = arith.constant -2147483648 : i32
        %reduce_max3A_267 = vector.broadcast %reduce_max3A_266 : i32 to vector<16xi32>
        %reduce_max3A_268 = arith.xori %bitcast_convert_type3A_264, %reduce_max3A_267 : vector<16xi32>
        %reduce_max3A_269 = tpu.scan <max>, %reduce_max3A_268 masked %reduce_max3A_265 : vector<16xi32>, vector<16xi1> -> vector<16xi32>
        %reduce_max3A_270 = arith.xori %reduce_max3A_269, %reduce_max3A_267 : vector<16xi32>
        %reduce_max3A_271 = vector.extract %reduce_max3A_270[15] : i32 from vector<16xi32>
        %mul3A_272 = arith.constant 0 : i32
        %mul3A_273 = vector.broadcast %mul3A_272 : i32 to vector<16xi32>
        %mul3A_274 = arith.muli %iota3A, %mul3A_273 : vector<16xi32>
        %add3A_275 = vector.broadcast %scan3A_240 : i32 to vector<16xi32>
        %add3A_276 = arith.addi %mul3A_274, %add3A_275 : vector<16xi32>
        %broadcast_in_dim3A_277 = arith.constant 0 : i32
        %broadcast_in_dim3A_278 = vector.broadcast %broadcast_in_dim3A_277 : i32 to vector<16xi32>
        %add3A_279 = vector.broadcast %reduce_max3A_271 : i32 to vector<16xi32>
        %add3A_280 = arith.addi %broadcast_in_dim3A_278, %add3A_279 : vector<16xi32>
        %eq3A_281 = arith.constant 0 : i32
        %eq3A_282 = vector.broadcast %eq3A_281 : i32 to vector<16xi32>
        %eq3A_283 = arith.cmpi eq, %iota3A, %eq3A_282 : vector<16xi32>
        tpu.vector_store_idx %arg11[%add3A_276], %add3A_280 masked %eq3A_283 : memref<2048xi32, #tpu.memory_space<vmem>>[vector<16xi32>], vector<16xi32>, vector<16xi1>
        %scan3A_284 = arith.constant 0 : i32
        scf.yield %scan3A_284 : i32
      }
      %scan3A_56 = arith.constant 2048 : i32
      %while3A = arith.constant 256 : i32
      %while3A_57 = arith.constant 127 : i32
      %while3A_58 = arith.constant 0 : i32
      %while3A_59:2 = scf.while (%while3A_240 = %while3A_57, %while3A_241 = %while3A_58) : (i32, i32) -> (i32, i32) {
        %mul3A_242 = arith.constant 16 : i32
        %mul3A_243 = arith.muli %while3A_240, %mul3A_242 : i32
        %get3A_244 = arith.index_cast %mul3A_243 : i32 to index
        %get3A_245 = tpu.vector_load %arg6[%get3A_244] {strides = array<i32>} : memref<2048xi32, #tpu.memory_space<vmem>>, vector<16xi32>,
        %reduce_sum3A_246 = arith.constant true
        %reduce_sum3A_247 = vector.broadcast %reduce_sum3A_246 : i1 to vector<16xi1>
        %reduce_sum3A_248 = tpu.scan <sum>, %get3A_245 masked %reduce_sum3A_247 : vector<16xi32>, vector<16xi1> -> vector<16xi32>
        %reduce_sum3A_249 = vector.extract %reduce_sum3A_248[15] : i32 from vector<16xi32>
        %add3A_250 = arith.addi %while3A_241, %reduce_sum3A_249 : i32
        %lt3A_251 = arith.cmpi slt, %add3A_250, %while3A : i32
        scf.condition(%lt3A_251) %while3A_240, %while3A_241 : i32, i32
      } do {
      ^bb0(%while3A_240: i32, %while3A_241: i32):
        %mul3A_242 = arith.constant 16 : i32
        %mul3A_243 = arith.muli %while3A_240, %mul3A_242 : i32
        %get3A_244 = arith.index_cast %mul3A_243 : i32 to index
        %get3A_245 = tpu.vector_load %arg6[%get3A_244] {strides = array<i32>} : memref<2048xi32, #tpu.memory_space<vmem>>, vector<16xi32>,
        %reduce_sum3A_246 = arith.constant true
        %reduce_sum3A_247 = vector.broadcast %reduce_sum3A_246 : i1 to vector<16xi1>
        %reduce_sum3A_248 = tpu.scan <sum>, %get3A_245 masked %reduce_sum3A_247 : vector<16xi32>, vector<16xi1> -> vector<16xi32>
        %reduce_sum3A_249 = vector.extract %reduce_sum3A_248[15] : i32 from vector<16xi32>
        %sub3A_250 = arith.constant 1 : i32
        %sub3A_251 = arith.subi %while3A_240, %sub3A_250 : i32
        %add3A_252 = arith.addi %while3A_241, %reduce_sum3A_249 : i32
        scf.yield %sub3A_251, %add3A_252 : i32, i32
      }
      %mul3A_60 = arith.constant 16 : i32
      %mul3A_61 = arith.muli %while3A_59#0, %mul3A_60 : i32
      %get3A = arith.index_cast %mul3A_61 : i32 to index
      %get3A_62 = tpu.vector_load %arg6[%get3A] {strides = array<i32>} : memref<2048xi32, #tpu.memory_space<vmem>>, vector<16xi32>,
      %rev3A = arith.constant 15 : i32
      %rev3A_63 = vector.broadcast %rev3A : i32 to vector<16xi32>
      %rev3A_64 = tpu.iota {dimensions = array<i32: 0>} : vector<16xi32>
      %rev3A_65 = arith.subi %rev3A_63, %rev3A_64 : vector<16xi32>
      %rev3A_66 = tpu.dynamic_gather %get3A_62[%rev3A_65] in [0] : vector<16xi32>, vector<16xi32> -> vector<16xi32>
      %broadcast_in_dim3A_67 = arith.constant true
      %broadcast_in_dim3A_68 = vector.broadcast %broadcast_in_dim3A_67 : i1 to vector<16xi1>
      %masked_cumsum3A = tpu.scan <sum>, %rev3A_66 masked %broadcast_in_dim3A_68 : vector<16xi32>, vector<16xi1> -> vector<16xi32>
      %add3A_69 = vector.broadcast %while3A_59#1 : i32 to vector<16xi32>
      %add3A_70 = arith.addi %add3A_69, %masked_cumsum3A : vector<16xi32>
      %ge3A = arith.constant 256 : i32
      %ge3A_71 = vector.broadcast %ge3A : i32 to vector<16xi32>
      %ge3A_72 = arith.cmpi sge, %add3A_70, %ge3A_71 : vector<16xi32>
      %all_reduce_ffs3A = tpu.all_reduce %ge3A_72 {dim = 0 : i64, kind = #tpu.reduction_kind<find_first_set>} : vector<16xi1> -> vector<16xi32>
      %iota3A_73 = tpu.iota {dimensions = array<i32: 0>} : vector<16xi32>
      %eq3A_74 = arith.cmpi eq, %iota3A_73, %all_reduce_ffs3A : vector<16xi32>
      %sub3A_75 = arith.subi %masked_cumsum3A, %rev3A_66 : vector<16xi32>
      %jit3A_76 = arith.constant 0 : i32
      %broadcast_in_dim3A_77 = vector.broadcast %jit3A_76 : i32 to vector<16xi32>
      %select_n3A_78 = arith.select %eq3A_74, %sub3A_75, %broadcast_in_dim3A_77 : vector<16xi1>, vector<16xi32>
      %reduce_sum3A = arith.constant true
      %reduce_sum3A_79 = vector.broadcast %reduce_sum3A : i1 to vector<16xi1>
      %reduce_sum3A_80 = tpu.scan <sum>, %select_n3A_78 masked %reduce_sum3A_79 : vector<16xi32>, vector<16xi1> -> vector<16xi32>
      %reduce_sum3A_81 = vector.extract %reduce_sum3A_80[15] : i32 from vector<16xi32>
      %add3A_82 = arith.addi %while3A_59#1, %reduce_sum3A_81 : i32
      %mul3A_83 = arith.constant 16 : i32
      %mul3A_84 = arith.muli %while3A_59#0, %mul3A_83 : i32
      %add3A_85 = arith.constant 15 : i32
      %add3A_86 = arith.addi %mul3A_84, %add3A_85 : i32
      %sub3A_87 = vector.broadcast %add3A_86 : i32 to vector<16xi32>
      %sub3A_88 = arith.subi %sub3A_87, %all_reduce_ffs3A : vector<16xi32>
      %shift_left3A = arith.constant 21 : i32
      %shift_left3A_89 = vector.broadcast %shift_left3A : i32 to vector<16xi32>
      %shift_left3A_90 = arith.shli %sub3A_88, %shift_left3A_89 : vector<16xi32>
      %xor3A = arith.constant -2147483648 : i32
      %xor3A_91 = vector.broadcast %xor3A : i32 to vector<16xi32>
      %xor3A_92 = arith.xori %shift_left3A_90, %xor3A_91 : vector<16xi32>
      %bitcast_convert_type3A = tpu.bitcast %xor3A_92 : vector<16xi32> -> vector<16xi32>
      %scan3A_93 = arith.constant 0 : i32
      %scan3A_94 = arith.constant 0 : i32
      %scan3A_95 = arith.constant 128 : i32
      %scan3A_96 = arith.addi %scan3A_94, %scan3A_95 : i32
      %scan3A_97 = arith.constant 1 : i32
      %scan3A_98 = scf.for %scan3A_240 = %scan3A_94 to %scan3A_96 step %scan3A_97 iter_args(%scan3A_241 = %scan3A_93) -> (i32)  : i32 {
        %mul3A_242 = arith.constant 16 : i32
        %mul3A_243 = arith.muli %scan3A_240, %mul3A_242 : i32
        %get3A_244 = arith.index_cast %mul3A_243 : i32 to index
        %get3A_245 = tpu.vector_load %arg11[%get3A_244] {strides = array<i32>} : memref<2048xi32, #tpu.memory_space<vmem>>, vector<16xi32>,
        %ge3A_246 = arith.cmpi sge, %get3A_245, %bitcast_convert_type3A : vector<16xi32>
        %convert_element_type3A_247 = arith.extui %ge3A_246 : vector<16xi1> to vector<16xi32>
        %broadcast_in_dim3A_248 = arith.constant true
        %broadcast_in_dim3A_249 = vector.broadcast %broadcast_in_dim3A_248 : i1 to vector<16xi1>
        %masked_cumsum3A_250 = tpu.scan <sum>, %convert_element_type3A_247 masked %broadcast_in_dim3A_249 : vector<16xi32>, vector<16xi1> -> vector<16xi32>
        %add3A_251 = vector.broadcast %scan3A_241 : i32 to vector<16xi32>
        %add3A_252 = arith.addi %add3A_251, %masked_cumsum3A_250 : vector<16xi32>
        %sub3A_253 = arith.constant 1 : i32
        %sub3A_254 = vector.broadcast %sub3A_253 : i32 to vector<16xi32>
        %sub3A_255 = arith.subi %add3A_252, %sub3A_254 : vector<16xi32>
        %mul3A_256 = arith.constant 16 : i32
        %mul3A_257 = arith.muli %scan3A_240, %mul3A_256 : i32
        %add3A_258 = vector.broadcast %mul3A_257 : i32 to vector<16xi32>
        %add3A_259 = arith.addi %add3A_258, %iota3A : vector<16xi32>
        tpu.vector_store_idx %arg12[%sub3A_255], %add3A_259 masked %ge3A_246 : memref<2064xi32, #tpu.memory_space<vmem>>[vector<16xi32>], vector<16xi32>, vector<16xi1>
        %convert_element_type3A_260 = arith.extui %ge3A_246 : vector<16xi1> to vector<16xi32>
        %reduce_sum3A_261 = arith.constant true
        %reduce_sum3A_262 = vector.broadcast %reduce_sum3A_261 : i1 to vector<16xi1>
        %reduce_sum3A_263 = tpu.scan <sum>, %convert_element_type3A_260 masked %reduce_sum3A_262 : vector<16xi32>, vector<16xi1> -> vector<16xi32>
        %reduce_sum3A_264 = vector.extract %reduce_sum3A_263[15] : i32 from vector<16xi32>
        %add3A_265 = arith.addi %scan3A_241, %reduce_sum3A_264 : i32
        scf.yield %add3A_265 : i32
      }
      %scan3A_99 = arith.constant 128 : i32
      %while3A_100 = arith.constant 0 : i32
      %while3A_101 = arith.constant 0 : i32
      %while3A_102 = arith.subi %scan3A_98, %while3A_100 : i32
      %while3A_103 = arith.addi %while3A_100, %while3A_102 : i32
      %while3A_104 = arith.constant 1 : i32
      %while3A_105 = arith.divsi %while3A_102, %while3A_104 : i32
      %while3A_106 = arith.muli %while3A_105, %while3A_104 : i32
      %while3A_107 = arith.addi %while3A_100, %while3A_106 : i32
      %while3A_108 = arith.constant 1 : i32
      %while3A_109 = scf.for %while3A_240 = %while3A_100 to %while3A_107 step %while3A_108 iter_args(%while3A_241 = %while3A_101) -> (i32)  : i32 {
        %get3A_242 = arith.index_cast %while3A_240 : i32 to index
        %get3A_243 = tpu.vector_load %arg12[%get3A_242] {strides = array<i32>} : memref<2064xi32, #tpu.memory_space<vmem>>, vector<16xi32>,
        %slice3A = vector.extract_strided_slice %get3A_243 {offsets = [0], sizes = [1], strides = [1]} : vector<16xi32> to vector<1xi32>
        %squeeze3A = vector.extract %slice3A[0] : i32 from vector<1xi32>
        %mul3A_244 = arith.constant 16 : i32
        %mul3A_245 = arith.muli %squeeze3A, %mul3A_244 : i32
        %get3A_246 = arith.index_cast %mul3A_245 : i32 to index
        %get3A_247 = tpu.vector_load %arg5[%get3A_246] {strides = array<i32>} : memref<32768xi32, #tpu.memory_space<vmem>>, vector<16xi32>,
        %shift_right_logical3A = arith.constant 21 : i32
        %shift_right_logical3A_248 = vector.broadcast %shift_right_logical3A : i32 to vector<16xi32>
        %shift_right_logical3A_249 = arith.shrui %get3A_247, %shift_right_logical3A_248 : vector<16xi32>
        %eq3A_250 = arith.cmpi eq, %shift_right_logical3A_249, %sub3A_88 : vector<16xi32>
        %shift_right_logical3A_251 = arith.constant 10 : i32
        %shift_right_logical3A_252 = vector.broadcast %shift_right_logical3A_251 : i32 to vector<16xi32>
        %shift_right_logical3A_253 = arith.shrui %get3A_247, %shift_right_logical3A_252 : vector<16xi32>
        %and3A_254 = arith.constant 2047 : i32
        %and3A_255 = vector.broadcast %and3A_254 : i32 to vector<16xi32>
        %and3A_256 = arith.andi %shift_right_logical3A_253, %and3A_255 : vector<16xi32>
        tpu.vector_store_idx %arg7[%and3A_256], %broadcast_in_dim3A_36 masked %eq3A_250 {add = true} : memref<2048xi32, #tpu.memory_space<vmem>>[vector<16xi32>], vector<16xi32>, vector<16xi1>
        %while3A_257 = arith.constant 0 : i32
        scf.yield %while3A_257 : i32
      }
      %while3A_110 = arith.constant 1 : i32
      %while3A_111 = scf.for %while3A_240 = %while3A_107 to %while3A_103 step %while3A_110 iter_args(%while3A_241 = %while3A_109) -> (i32)  : i32 {
        %get3A_242 = arith.index_cast %while3A_240 : i32 to index
        %get3A_243 = tpu.vector_load %arg12[%get3A_242] {strides = array<i32>} : memref<2064xi32, #tpu.memory_space<vmem>>, vector<16xi32>,
        %slice3A = vector.extract_strided_slice %get3A_243 {offsets = [0], sizes = [1], strides = [1]} : vector<16xi32> to vector<1xi32>
        %squeeze3A = vector.extract %slice3A[0] : i32 from vector<1xi32>
        %mul3A_244 = arith.constant 16 : i32
        %mul3A_245 = arith.muli %squeeze3A, %mul3A_244 : i32
        %get3A_246 = arith.index_cast %mul3A_245 : i32 to index
        %get3A_247 = tpu.vector_load %arg5[%get3A_246] {strides = array<i32>} : memref<32768xi32, #tpu.memory_space<vmem>>, vector<16xi32>,
        %shift_right_logical3A = arith.constant 21 : i32
        %shift_right_logical3A_248 = vector.broadcast %shift_right_logical3A : i32 to vector<16xi32>
        %shift_right_logical3A_249 = arith.shrui %get3A_247, %shift_right_logical3A_248 : vector<16xi32>
        %eq3A_250 = arith.cmpi eq, %shift_right_logical3A_249, %sub3A_88 : vector<16xi32>
        %shift_right_logical3A_251 = arith.constant 10 : i32
        %shift_right_logical3A_252 = vector.broadcast %shift_right_logical3A_251 : i32 to vector<16xi32>
        %shift_right_logical3A_253 = arith.shrui %get3A_247, %shift_right_logical3A_252 : vector<16xi32>
        %and3A_254 = arith.constant 2047 : i32
        %and3A_255 = vector.broadcast %and3A_254 : i32 to vector<16xi32>
        %and3A_256 = arith.andi %shift_right_logical3A_253, %and3A_255 : vector<16xi32>
        tpu.vector_store_idx %arg7[%and3A_256], %broadcast_in_dim3A_36 masked %eq3A_250 {add = true} : memref<2048xi32, #tpu.memory_space<vmem>>[vector<16xi32>], vector<16xi32>, vector<16xi1>
        %while3A_257 = arith.constant 0 : i32
        scf.yield %while3A_257 : i32
      }
      %sub3A_112 = arith.constant 256 : i32
      %sub3A_113 = arith.subi %sub3A_112, %add3A_82 : i32
      %while3A_114 = arith.constant 127 : i32
      %while3A_115 = arith.constant 0 : i32
      %while3A_116:2 = scf.while (%while3A_240 = %while3A_114, %while3A_241 = %while3A_115) : (i32, i32) -> (i32, i32) {
        %mul3A_242 = arith.constant 16 : i32
        %mul3A_243 = arith.muli %while3A_240, %mul3A_242 : i32
        %get3A_244 = arith.index_cast %mul3A_243 : i32 to index
        %get3A_245 = tpu.vector_load %arg7[%get3A_244] {strides = array<i32>} : memref<2048xi32, #tpu.memory_space<vmem>>, vector<16xi32>,
        %reduce_sum3A_246 = arith.constant true
        %reduce_sum3A_247 = vector.broadcast %reduce_sum3A_246 : i1 to vector<16xi1>
        %reduce_sum3A_248 = tpu.scan <sum>, %get3A_245 masked %reduce_sum3A_247 : vector<16xi32>, vector<16xi1> -> vector<16xi32>
        %reduce_sum3A_249 = vector.extract %reduce_sum3A_248[15] : i32 from vector<16xi32>
        %add3A_250 = arith.addi %while3A_241, %reduce_sum3A_249 : i32
        %lt3A_251 = arith.cmpi slt, %add3A_250, %sub3A_113 : i32
        scf.condition(%lt3A_251) %while3A_240, %while3A_241 : i32, i32
      } do {
      ^bb0(%while3A_240: i32, %while3A_241: i32):
        %mul3A_242 = arith.constant 16 : i32
        %mul3A_243 = arith.muli %while3A_240, %mul3A_242 : i32
        %get3A_244 = arith.index_cast %mul3A_243 : i32 to index
        %get3A_245 = tpu.vector_load %arg7[%get3A_244] {strides = array<i32>} : memref<2048xi32, #tpu.memory_space<vmem>>, vector<16xi32>,
        %reduce_sum3A_246 = arith.constant true
        %reduce_sum3A_247 = vector.broadcast %reduce_sum3A_246 : i1 to vector<16xi1>
        %reduce_sum3A_248 = tpu.scan <sum>, %get3A_245 masked %reduce_sum3A_247 : vector<16xi32>, vector<16xi1> -> vector<16xi32>
        %reduce_sum3A_249 = vector.extract %reduce_sum3A_248[15] : i32 from vector<16xi32>
        %sub3A_250 = arith.constant 1 : i32
        %sub3A_251 = arith.subi %while3A_240, %sub3A_250 : i32
        %add3A_252 = arith.addi %while3A_241, %reduce_sum3A_249 : i32
        scf.yield %sub3A_251, %add3A_252 : i32, i32
      }
      %mul3A_117 = arith.constant 16 : i32
      %mul3A_118 = arith.muli %while3A_116#0, %mul3A_117 : i32
      %get3A_119 = arith.index_cast %mul3A_118 : i32 to index
      %get3A_120 = tpu.vector_load %arg7[%get3A_119] {strides = array<i32>} : memref<2048xi32, #tpu.memory_space<vmem>>, vector<16xi32>,
      %rev3A_121 = arith.constant 15 : i32
      %rev3A_122 = vector.broadcast %rev3A_121 : i32 to vector<16xi32>
      %rev3A_123 = tpu.iota {dimensions = array<i32: 0>} : vector<16xi32>
      %rev3A_124 = arith.subi %rev3A_122, %rev3A_123 : vector<16xi32>
      %rev3A_125 = tpu.dynamic_gather %get3A_120[%rev3A_124] in [0] : vector<16xi32>, vector<16xi32> -> vector<16xi32>
      %broadcast_in_dim3A_126 = arith.constant true
      %broadcast_in_dim3A_127 = vector.broadcast %broadcast_in_dim3A_126 : i1 to vector<16xi1>
      %masked_cumsum3A_128 = tpu.scan <sum>, %rev3A_125 masked %broadcast_in_dim3A_127 : vector<16xi32>, vector<16xi1> -> vector<16xi32>
      %add3A_129 = vector.broadcast %while3A_116#1 : i32 to vector<16xi32>
      %add3A_130 = arith.addi %add3A_129, %masked_cumsum3A_128 : vector<16xi32>
      %ge3A_131 = vector.broadcast %sub3A_113 : i32 to vector<16xi32>
      %ge3A_132 = arith.cmpi sge, %add3A_130, %ge3A_131 : vector<16xi32>
      %all_reduce_ffs3A_133 = tpu.all_reduce %ge3A_132 {dim = 0 : i64, kind = #tpu.reduction_kind<find_first_set>} : vector<16xi1> -> vector<16xi32>
      %iota3A_134 = tpu.iota {dimensions = array<i32: 0>} : vector<16xi32>
      %eq3A_135 = arith.cmpi eq, %iota3A_134, %all_reduce_ffs3A_133 : vector<16xi32>
      %sub3A_136 = arith.subi %masked_cumsum3A_128, %rev3A_125 : vector<16xi32>
      %jit3A_137 = arith.constant 0 : i32
      %broadcast_in_dim3A_138 = vector.broadcast %jit3A_137 : i32 to vector<16xi32>
      %select_n3A_139 = arith.select %eq3A_135, %sub3A_136, %broadcast_in_dim3A_138 : vector<16xi1>, vector<16xi32>
      %reduce_sum3A_140 = arith.constant true
      %reduce_sum3A_141 = vector.broadcast %reduce_sum3A_140 : i1 to vector<16xi1>
      %reduce_sum3A_142 = tpu.scan <sum>, %select_n3A_139 masked %reduce_sum3A_141 : vector<16xi32>, vector<16xi1> -> vector<16xi32>
      %reduce_sum3A_143 = vector.extract %reduce_sum3A_142[15] : i32 from vector<16xi32>
      %add3A_144 = arith.addi %while3A_116#1, %reduce_sum3A_143 : i32
      %mul3A_145 = arith.constant 16 : i32
      %mul3A_146 = arith.muli %while3A_116#0, %mul3A_145 : i32
      %add3A_147 = arith.constant 15 : i32
      %add3A_148 = arith.addi %mul3A_146, %add3A_147 : i32
      %sub3A_149 = vector.broadcast %add3A_148 : i32 to vector<16xi32>
      %sub3A_150 = arith.subi %sub3A_149, %all_reduce_ffs3A_133 : vector<16xi32>
      %shift_left3A_151 = arith.constant 11 : i32
      %shift_left3A_152 = vector.broadcast %shift_left3A_151 : i32 to vector<16xi32>
      %shift_left3A_153 = arith.shli %sub3A_88, %shift_left3A_152 : vector<16xi32>
      %or3A = arith.ori %shift_left3A_153, %sub3A_150 : vector<16xi32>
      %while3A_154 = arith.constant 0 : i32
      %while3A_155 = arith.constant 0 : i32
      %while3A_156 = arith.subi %scan3A_98, %while3A_154 : i32
      %while3A_157 = arith.addi %while3A_154, %while3A_156 : i32
      %while3A_158 = arith.constant 1 : i32
      %while3A_159 = arith.divsi %while3A_156, %while3A_158 : i32
      %while3A_160 = arith.muli %while3A_159, %while3A_158 : i32
      %while3A_161 = arith.addi %while3A_154, %while3A_160 : i32
      %while3A_162 = arith.constant 1 : i32
      %while3A_163 = scf.for %while3A_240 = %while3A_154 to %while3A_161 step %while3A_162 iter_args(%while3A_241 = %while3A_155) -> (i32)  : i32 {
        %get3A_242 = arith.index_cast %while3A_240 : i32 to index
        %get3A_243 = tpu.vector_load %arg12[%get3A_242] {strides = array<i32>} : memref<2064xi32, #tpu.memory_space<vmem>>, vector<16xi32>,
        %slice3A = vector.extract_strided_slice %get3A_243 {offsets = [0], sizes = [1], strides = [1]} : vector<16xi32> to vector<1xi32>
        %squeeze3A = vector.extract %slice3A[0] : i32 from vector<1xi32>
        %mul3A_244 = arith.constant 16 : i32
        %mul3A_245 = arith.muli %squeeze3A, %mul3A_244 : i32
        %get3A_246 = arith.index_cast %mul3A_245 : i32 to index
        %get3A_247 = tpu.vector_load %arg5[%get3A_246] {strides = array<i32>} : memref<32768xi32, #tpu.memory_space<vmem>>, vector<16xi32>,
        %shift_right_logical3A = arith.constant 10 : i32
        %shift_right_logical3A_248 = vector.broadcast %shift_right_logical3A : i32 to vector<16xi32>
        %shift_right_logical3A_249 = arith.shrui %get3A_247, %shift_right_logical3A_248 : vector<16xi32>
        %eq3A_250 = arith.cmpi eq, %shift_right_logical3A_249, %or3A : vector<16xi32>
        %and3A_251 = arith.constant 1023 : i32
        %and3A_252 = vector.broadcast %and3A_251 : i32 to vector<16xi32>
        %and3A_253 = arith.andi %get3A_247, %and3A_252 : vector<16xi32>
        tpu.vector_store_idx %arg8[%and3A_253], %broadcast_in_dim3A_36 masked %eq3A_250 {add = true} : memref<1024xi32, #tpu.memory_space<vmem>>[vector<16xi32>], vector<16xi32>, vector<16xi1>
        %while3A_254 = arith.constant 0 : i32
        scf.yield %while3A_254 : i32
      }
      %while3A_164 = arith.constant 1 : i32
      %while3A_165 = scf.for %while3A_240 = %while3A_161 to %while3A_157 step %while3A_164 iter_args(%while3A_241 = %while3A_163) -> (i32)  : i32 {
        %get3A_242 = arith.index_cast %while3A_240 : i32 to index
        %get3A_243 = tpu.vector_load %arg12[%get3A_242] {strides = array<i32>} : memref<2064xi32, #tpu.memory_space<vmem>>, vector<16xi32>,
        %slice3A = vector.extract_strided_slice %get3A_243 {offsets = [0], sizes = [1], strides = [1]} : vector<16xi32> to vector<1xi32>
        %squeeze3A = vector.extract %slice3A[0] : i32 from vector<1xi32>
        %mul3A_244 = arith.constant 16 : i32
        %mul3A_245 = arith.muli %squeeze3A, %mul3A_244 : i32
        %get3A_246 = arith.index_cast %mul3A_245 : i32 to index
        %get3A_247 = tpu.vector_load %arg5[%get3A_246] {strides = array<i32>} : memref<32768xi32, #tpu.memory_space<vmem>>, vector<16xi32>,
        %shift_right_logical3A = arith.constant 10 : i32
        %shift_right_logical3A_248 = vector.broadcast %shift_right_logical3A : i32 to vector<16xi32>
        %shift_right_logical3A_249 = arith.shrui %get3A_247, %shift_right_logical3A_248 : vector<16xi32>
        %eq3A_250 = arith.cmpi eq, %shift_right_logical3A_249, %or3A : vector<16xi32>
        %and3A_251 = arith.constant 1023 : i32
        %and3A_252 = vector.broadcast %and3A_251 : i32 to vector<16xi32>
        %and3A_253 = arith.andi %get3A_247, %and3A_252 : vector<16xi32>
        tpu.vector_store_idx %arg8[%and3A_253], %broadcast_in_dim3A_36 masked %eq3A_250 {add = true} : memref<1024xi32, #tpu.memory_space<vmem>>[vector<16xi32>], vector<16xi32>, vector<16xi1>
        %while3A_254 = arith.constant 0 : i32
        scf.yield %while3A_254 : i32
      }
      %sub3A_166 = arith.constant 256 : i32
      %sub3A_167 = arith.subi %sub3A_166, %add3A_82 : i32
      %sub3A_168 = arith.subi %sub3A_167, %add3A_144 : i32
      %while3A_169 = arith.constant 63 : i32
      %while3A_170 = arith.constant 0 : i32
      %while3A_171:2 = scf.while (%while3A_240 = %while3A_169, %while3A_241 = %while3A_170) : (i32, i32) -> (i32, i32) {
        %mul3A_242 = arith.constant 16 : i32
        %mul3A_243 = arith.muli %while3A_240, %mul3A_242 : i32
        %get3A_244 = arith.index_cast %mul3A_243 : i32 to index
        %get3A_245 = tpu.vector_load %arg8[%get3A_244] {strides = array<i32>} : memref<1024xi32, #tpu.memory_space<vmem>>, vector<16xi32>,
        %reduce_sum3A_246 = arith.constant true
        %reduce_sum3A_247 = vector.broadcast %reduce_sum3A_246 : i1 to vector<16xi1>
        %reduce_sum3A_248 = tpu.scan <sum>, %get3A_245 masked %reduce_sum3A_247 : vector<16xi32>, vector<16xi1> -> vector<16xi32>
        %reduce_sum3A_249 = vector.extract %reduce_sum3A_248[15] : i32 from vector<16xi32>
        %add3A_250 = arith.addi %while3A_241, %reduce_sum3A_249 : i32
        %lt3A_251 = arith.cmpi slt, %add3A_250, %sub3A_168 : i32
        scf.condition(%lt3A_251) %while3A_240, %while3A_241 : i32, i32
      } do {
      ^bb0(%while3A_240: i32, %while3A_241: i32):
        %mul3A_242 = arith.constant 16 : i32
        %mul3A_243 = arith.muli %while3A_240, %mul3A_242 : i32
        %get3A_244 = arith.index_cast %mul3A_243 : i32 to index
        %get3A_245 = tpu.vector_load %arg8[%get3A_244] {strides = array<i32>} : memref<1024xi32, #tpu.memory_space<vmem>>, vector<16xi32>,
        %reduce_sum3A_246 = arith.constant true
        %reduce_sum3A_247 = vector.broadcast %reduce_sum3A_246 : i1 to vector<16xi1>
        %reduce_sum3A_248 = tpu.scan <sum>, %get3A_245 masked %reduce_sum3A_247 : vector<16xi32>, vector<16xi1> -> vector<16xi32>
        %reduce_sum3A_249 = vector.extract %reduce_sum3A_248[15] : i32 from vector<16xi32>
        %sub3A_250 = arith.constant 1 : i32
        %sub3A_251 = arith.subi %while3A_240, %sub3A_250 : i32
        %add3A_252 = arith.addi %while3A_241, %reduce_sum3A_249 : i32
        scf.yield %sub3A_251, %add3A_252 : i32, i32
      }
      %mul3A_172 = arith.constant 16 : i32
      %mul3A_173 = arith.muli %while3A_171#0, %mul3A_172 : i32
      %get3A_174 = arith.index_cast %mul3A_173 : i32 to index
      %get3A_175 = tpu.vector_load %arg8[%get3A_174] {strides = array<i32>} : memref<1024xi32, #tpu.memory_space<vmem>>, vector<16xi32>,
      %rev3A_176 = arith.constant 15 : i32
      %rev3A_177 = vector.broadcast %rev3A_176 : i32 to vector<16xi32>
      %rev3A_178 = tpu.iota {dimensions = array<i32: 0>} : vector<16xi32>
      %rev3A_179 = arith.subi %rev3A_177, %rev3A_178 : vector<16xi32>
      %rev3A_180 = tpu.dynamic_gather %get3A_175[%rev3A_179] in [0] : vector<16xi32>, vector<16xi32> -> vector<16xi32>
      %broadcast_in_dim3A_181 = arith.constant true
      %broadcast_in_dim3A_182 = vector.broadcast %broadcast_in_dim3A_181 : i1 to vector<16xi1>
      %masked_cumsum3A_183 = tpu.scan <sum>, %rev3A_180 masked %broadcast_in_dim3A_182 : vector<16xi32>, vector<16xi1> -> vector<16xi32>
      %add3A_184 = vector.broadcast %while3A_171#1 : i32 to vector<16xi32>
      %add3A_185 = arith.addi %add3A_184, %masked_cumsum3A_183 : vector<16xi32>
      %ge3A_186 = vector.broadcast %sub3A_168 : i32 to vector<16xi32>
      %ge3A_187 = arith.cmpi sge, %add3A_185, %ge3A_186 : vector<16xi32>
      %all_reduce_ffs3A_188 = tpu.all_reduce %ge3A_187 {dim = 0 : i64, kind = #tpu.reduction_kind<find_first_set>} : vector<16xi1> -> vector<16xi32>
      %iota3A_189 = tpu.iota {dimensions = array<i32: 0>} : vector<16xi32>
      %eq3A_190 = arith.cmpi eq, %iota3A_189, %all_reduce_ffs3A_188 : vector<16xi32>
      %sub3A_191 = arith.subi %masked_cumsum3A_183, %rev3A_180 : vector<16xi32>
      %jit3A_192 = arith.constant 0 : i32
      %broadcast_in_dim3A_193 = vector.broadcast %jit3A_192 : i32 to vector<16xi32>
      %select_n3A_194 = arith.select %eq3A_190, %sub3A_191, %broadcast_in_dim3A_193 : vector<16xi1>, vector<16xi32>
      %reduce_sum3A_195 = arith.constant true
      %reduce_sum3A_196 = vector.broadcast %reduce_sum3A_195 : i1 to vector<16xi1>
      %reduce_sum3A_197 = tpu.scan <sum>, %select_n3A_194 masked %reduce_sum3A_196 : vector<16xi32>, vector<16xi1> -> vector<16xi32>
      %reduce_sum3A_198 = vector.extract %reduce_sum3A_197[15] : i32 from vector<16xi32>
      %add3A_199 = arith.addi %while3A_171#1, %reduce_sum3A_198 : i32
      %mul3A_200 = arith.constant 16 : i32
      %mul3A_201 = arith.muli %while3A_171#0, %mul3A_200 : i32
      %add3A_202 = arith.constant 15 : i32
      %add3A_203 = arith.addi %mul3A_201, %add3A_202 : i32
      %sub3A_204 = vector.broadcast %add3A_203 : i32 to vector<16xi32>
      %sub3A_205 = arith.subi %sub3A_204, %all_reduce_ffs3A_188 : vector<16xi32>
      %shift_left3A_206 = arith.constant 21 : i32
      %shift_left3A_207 = vector.broadcast %shift_left3A_206 : i32 to vector<16xi32>
      %shift_left3A_208 = arith.shli %sub3A_88, %shift_left3A_207 : vector<16xi32>
      %shift_left3A_209 = arith.constant 10 : i32
      %shift_left3A_210 = vector.broadcast %shift_left3A_209 : i32 to vector<16xi32>
      %shift_left3A_211 = arith.shli %sub3A_150, %shift_left3A_210 : vector<16xi32>
      %or3A_212 = arith.ori %shift_left3A_208, %shift_left3A_211 : vector<16xi32>
      %or3A_213 = arith.ori %or3A_212, %sub3A_205 : vector<16xi32>
      %sub3A_214 = arith.constant 256 : i32
      %sub3A_215 = arith.subi %sub3A_214, %add3A_82 : i32
      %sub3A_216 = arith.subi %sub3A_215, %add3A_144 : i32
      %sub3A_217 = arith.subi %sub3A_216, %add3A_199 : i32
      %while3A_218 = arith.constant 0 : i32
      %while3A_219 = arith.constant 0 : i32
      %while3A_220 = arith.constant 0 : i32
      %while3A_221 = arith.subi %scan3A_98, %while3A_218 : i32
      %while3A_222 = arith.addi %while3A_218, %while3A_221 : i32
      %while3A_223 = arith.constant 1 : i32
      %while3A_224 = arith.divsi %while3A_221, %while3A_223 : i32
      %while3A_225 = arith.muli %while3A_224, %while3A_223 : i32
      %while3A_226 = arith.addi %while3A_218, %while3A_225 : i32
      %while3A_227 = arith.constant 1 : i32
      %while3A_228:2 = scf.for %while3A_240 = %while3A_218 to %while3A_226 step %while3A_227 iter_args(%while3A_241 = %while3A_219, %while3A_242 = %while3A_220) -> (i32, i32)  : i32 {
        %get3A_243 = arith.index_cast %while3A_240 : i32 to index
        %get3A_244 = tpu.vector_load %arg12[%get3A_243] {strides = array<i32>} : memref<2064xi32, #tpu.memory_space<vmem>>, vector<16xi32>,
        %slice3A = vector.extract_strided_slice %get3A_244 {offsets = [0], sizes = [1], strides = [1]} : vector<16xi32> to vector<1xi32>
        %squeeze3A = vector.extract %slice3A[0] : i32 from vector<1xi32>
        %mul3A_245 = arith.constant 16 : i32
        %mul3A_246 = arith.muli %squeeze3A, %mul3A_245 : i32
        %get3A_247 = arith.index_cast %mul3A_246 : i32 to index
        %get3A_248 = tpu.vector_load %arg5[%get3A_247] {strides = array<i32>} : memref<32768xi32, #tpu.memory_space<vmem>>, vector<16xi32>,
        %mul3A_249 = arith.constant 16 : i32
        %mul3A_250 = arith.muli %squeeze3A, %mul3A_249 : i32
        %add3A_251 = vector.broadcast %mul3A_250 : i32 to vector<16xi32>
        %add3A_252 = arith.addi %add3A_251, %iota3A : vector<16xi32>
        %gt3A = arith.cmpi ugt, %get3A_248, %or3A_213 : vector<16xi32>
        %convert_element_type3A_253 = arith.extui %gt3A : vector<16xi1> to vector<16xi32>
        %broadcast_in_dim3A_254 = arith.constant true
        %broadcast_in_dim3A_255 = vector.broadcast %broadcast_in_dim3A_254 : i1 to vector<16xi1>
        %masked_cumsum3A_256 = tpu.scan <sum>, %convert_element_type3A_253 masked %broadcast_in_dim3A_255 : vector<16xi32>, vector<16xi1> -> vector<16xi32>
        %add3A_257 = vector.broadcast %while3A_241 : i32 to vector<16xi32>
        %add3A_258 = arith.addi %add3A_257, %masked_cumsum3A_256 : vector<16xi32>
        %sub3A_259 = arith.constant 1 : i32
        %sub3A_260 = vector.broadcast %sub3A_259 : i32 to vector<16xi32>
        %sub3A_261 = arith.subi %add3A_258, %sub3A_260 : vector<16xi32>
        tpu.vector_store_idx %arg9[%sub3A_261], %add3A_252 masked %gt3A : memref<256xi32, #tpu.memory_space<vmem>>[vector<16xi32>], vector<16xi32>, vector<16xi1>
        %eq3A_262 = arith.cmpi eq, %get3A_248, %or3A_213 : vector<16xi32>
        %convert_element_type3A_263 = arith.extui %eq3A_262 : vector<16xi1> to vector<16xi32>
        %broadcast_in_dim3A_264 = arith.constant true
        %broadcast_in_dim3A_265 = vector.broadcast %broadcast_in_dim3A_264 : i1 to vector<16xi1>
        %masked_cumsum3A_266 = tpu.scan <sum>, %convert_element_type3A_263 masked %broadcast_in_dim3A_265 : vector<16xi32>, vector<16xi1> -> vector<16xi32>
        %add3A_267 = vector.broadcast %while3A_242 : i32 to vector<16xi32>
        %add3A_268 = arith.addi %add3A_267, %masked_cumsum3A_266 : vector<16xi32>
        %le3A = vector.broadcast %sub3A_217 : i32 to vector<16xi32>
        %le3A_269 = arith.cmpi sle, %add3A_268, %le3A : vector<16xi32>
        %and3A_270 = arith.andi %eq3A_262, %le3A_269 : vector<16xi1>
        %add3A_271 = vector.broadcast %while3A_242 : i32 to vector<16xi32>
        %add3A_272 = arith.addi %add3A_271, %masked_cumsum3A_266 : vector<16xi32>
        %sub3A_273 = arith.constant 1 : i32
        %sub3A_274 = vector.broadcast %sub3A_273 : i32 to vector<16xi32>
        %sub3A_275 = arith.subi %add3A_272, %sub3A_274 : vector<16xi32>
        tpu.vector_store_idx %arg10[%sub3A_275], %add3A_252 masked %and3A_270 : memref<256xi32, #tpu.memory_space<vmem>>[vector<16xi32>], vector<16xi32>, vector<16xi1>
        %convert_element_type3A_276 = arith.extui %gt3A : vector<16xi1> to vector<16xi32>
        %reduce_sum3A_277 = arith.constant true
        %reduce_sum3A_278 = vector.broadcast %reduce_sum3A_277 : i1 to vector<16xi1>
        %reduce_sum3A_279 = tpu.scan <sum>, %convert_element_type3A_276 masked %reduce_sum3A_278 : vector<16xi32>, vector<16xi1> -> vector<16xi32>
        %reduce_sum3A_280 = vector.extract %reduce_sum3A_279[15] : i32 from vector<16xi32>
        %add3A_281 = arith.addi %while3A_241, %reduce_sum3A_280 : i32
        %convert_element_type3A_282 = arith.extui %and3A_270 : vector<16xi1> to vector<16xi32>
        %reduce_sum3A_283 = arith.constant true
        %reduce_sum3A_284 = vector.broadcast %reduce_sum3A_283 : i1 to vector<16xi1>
        %reduce_sum3A_285 = tpu.scan <sum>, %convert_element_type3A_282 masked %reduce_sum3A_284 : vector<16xi32>, vector<16xi1> -> vector<16xi32>
        %reduce_sum3A_286 = vector.extract %reduce_sum3A_285[15] : i32 from vector<16xi32>
        %add3A_287 = arith.addi %while3A_242, %reduce_sum3A_286 : i32
        scf.yield %add3A_281, %add3A_287 : i32, i32
      }
      %while3A_229 = arith.constant 1 : i32
      %while3A_230:2 = scf.for %while3A_240 = %while3A_226 to %while3A_222 step %while3A_229 iter_args(%while3A_241 = %while3A_228#0, %while3A_242 = %while3A_228#1) -> (i32, i32)  : i32 {
        %get3A_243 = arith.index_cast %while3A_240 : i32 to index
        %get3A_244 = tpu.vector_load %arg12[%get3A_243] {strides = array<i32>} : memref<2064xi32, #tpu.memory_space<vmem>>, vector<16xi32>,
        %slice3A = vector.extract_strided_slice %get3A_244 {offsets = [0], sizes = [1], strides = [1]} : vector<16xi32> to vector<1xi32>
        %squeeze3A = vector.extract %slice3A[0] : i32 from vector<1xi32>
        %mul3A_245 = arith.constant 16 : i32
        %mul3A_246 = arith.muli %squeeze3A, %mul3A_245 : i32
        %get3A_247 = arith.index_cast %mul3A_246 : i32 to index
        %get3A_248 = tpu.vector_load %arg5[%get3A_247] {strides = array<i32>} : memref<32768xi32, #tpu.memory_space<vmem>>, vector<16xi32>,
        %mul3A_249 = arith.constant 16 : i32
        %mul3A_250 = arith.muli %squeeze3A, %mul3A_249 : i32
        %add3A_251 = vector.broadcast %mul3A_250 : i32 to vector<16xi32>
        %add3A_252 = arith.addi %add3A_251, %iota3A : vector<16xi32>
        %gt3A = arith.cmpi ugt, %get3A_248, %or3A_213 : vector<16xi32>
        %convert_element_type3A_253 = arith.extui %gt3A : vector<16xi1> to vector<16xi32>
        %broadcast_in_dim3A_254 = arith.constant true
        %broadcast_in_dim3A_255 = vector.broadcast %broadcast_in_dim3A_254 : i1 to vector<16xi1>
        %masked_cumsum3A_256 = tpu.scan <sum>, %convert_element_type3A_253 masked %broadcast_in_dim3A_255 : vector<16xi32>, vector<16xi1> -> vector<16xi32>
        %add3A_257 = vector.broadcast %while3A_241 : i32 to vector<16xi32>
        %add3A_258 = arith.addi %add3A_257, %masked_cumsum3A_256 : vector<16xi32>
        %sub3A_259 = arith.constant 1 : i32
        %sub3A_260 = vector.broadcast %sub3A_259 : i32 to vector<16xi32>
        %sub3A_261 = arith.subi %add3A_258, %sub3A_260 : vector<16xi32>
        tpu.vector_store_idx %arg9[%sub3A_261], %add3A_252 masked %gt3A : memref<256xi32, #tpu.memory_space<vmem>>[vector<16xi32>], vector<16xi32>, vector<16xi1>
        %eq3A_262 = arith.cmpi eq, %get3A_248, %or3A_213 : vector<16xi32>
        %convert_element_type3A_263 = arith.extui %eq3A_262 : vector<16xi1> to vector<16xi32>
        %broadcast_in_dim3A_264 = arith.constant true
        %broadcast_in_dim3A_265 = vector.broadcast %broadcast_in_dim3A_264 : i1 to vector<16xi1>
        %masked_cumsum3A_266 = tpu.scan <sum>, %convert_element_type3A_263 masked %broadcast_in_dim3A_265 : vector<16xi32>, vector<16xi1> -> vector<16xi32>
        %add3A_267 = vector.broadcast %while3A_242 : i32 to vector<16xi32>
        %add3A_268 = arith.addi %add3A_267, %masked_cumsum3A_266 : vector<16xi32>
        %le3A = vector.broadcast %sub3A_217 : i32 to vector<16xi32>
        %le3A_269 = arith.cmpi sle, %add3A_268, %le3A : vector<16xi32>
        %and3A_270 = arith.andi %eq3A_262, %le3A_269 : vector<16xi1>
        %add3A_271 = vector.broadcast %while3A_242 : i32 to vector<16xi32>
        %add3A_272 = arith.addi %add3A_271, %masked_cumsum3A_266 : vector<16xi32>
        %sub3A_273 = arith.constant 1 : i32
        %sub3A_274 = vector.broadcast %sub3A_273 : i32 to vector<16xi32>
        %sub3A_275 = arith.subi %add3A_272, %sub3A_274 : vector<16xi32>
        tpu.vector_store_idx %arg10[%sub3A_275], %add3A_252 masked %and3A_270 : memref<256xi32, #tpu.memory_space<vmem>>[vector<16xi32>], vector<16xi32>, vector<16xi1>
        %convert_element_type3A_276 = arith.extui %gt3A : vector<16xi1> to vector<16xi32>
        %reduce_sum3A_277 = arith.constant true
        %reduce_sum3A_278 = vector.broadcast %reduce_sum3A_277 : i1 to vector<16xi1>
        %reduce_sum3A_279 = tpu.scan <sum>, %convert_element_type3A_276 masked %reduce_sum3A_278 : vector<16xi32>, vector<16xi1> -> vector<16xi32>
        %reduce_sum3A_280 = vector.extract %reduce_sum3A_279[15] : i32 from vector<16xi32>
        %add3A_281 = arith.addi %while3A_241, %reduce_sum3A_280 : i32
        %convert_element_type3A_282 = arith.extui %and3A_270 : vector<16xi1> to vector<16xi32>
        %reduce_sum3A_283 = arith.constant true
        %reduce_sum3A_284 = vector.broadcast %reduce_sum3A_283 : i1 to vector<16xi1>
        %reduce_sum3A_285 = tpu.scan <sum>, %convert_element_type3A_282 masked %reduce_sum3A_284 : vector<16xi32>, vector<16xi1> -> vector<16xi32>
        %reduce_sum3A_286 = vector.extract %reduce_sum3A_285[15] : i32 from vector<16xi32>
        %add3A_287 = arith.addi %while3A_242, %reduce_sum3A_286 : i32
        scf.yield %add3A_281, %add3A_287 : i32, i32
      }
      %scan3A_231 = arith.constant 0 : i32
      %scan3A_232 = arith.constant 0 : i32
      %scan3A_233 = arith.constant 16 : i32
      %scan3A_234 = arith.addi %scan3A_232, %scan3A_233 : i32
      %scan3A_235 = arith.constant 1 : i32
      %scan3A_236 = scf.for %scan3A_240 = %scan3A_232 to %scan3A_234 step %scan3A_235 iter_args(%scan3A_241 = %scan3A_231) -> (i32)  : i32 {
        %mul3A_242 = arith.constant 16 : i32
        %mul3A_243 = arith.muli %scan3A_240, %mul3A_242 : i32
        %add3A_244 = vector.broadcast %mul3A_243 : i32 to vector<16xi32>
        %add3A_245 = arith.addi %add3A_244, %iota3A : vector<16xi32>
        %add3A_246 = vector.broadcast %while3A_230#0 : i32 to vector<16xi32>
        %add3A_247 = arith.addi %add3A_246, %add3A_245 : vector<16xi32>
        %mul3A_248 = arith.constant 16 : i32
        %mul3A_249 = arith.muli %scan3A_240, %mul3A_248 : i32
        %get3A_250 = arith.index_cast %mul3A_249 : i32 to index
        %get3A_251 = tpu.vector_load %arg10[%get3A_250] {strides = array<i32>} : memref<256xi32, #tpu.memory_space<vmem>>, vector<16xi32>,
        %lt3A_252 = vector.broadcast %sub3A_217 : i32 to vector<16xi32>
        %lt3A_253 = arith.cmpi slt, %add3A_245, %lt3A_252 : vector<16xi32>
        tpu.vector_store_idx %arg9[%add3A_247], %get3A_251 masked %lt3A_253 : memref<256xi32, #tpu.memory_space<vmem>>[vector<16xi32>], vector<16xi32>, vector<16xi1>
        %scan3A_254 = arith.constant 0 : i32
        scf.yield %scan3A_254 : i32
      }
      %scan3A_237 = arith.constant 16 : i32
      %mul3A_238 = arith.constant 256 : i32
      %mul3A_239 = arith.muli %select_n3A_33, %mul3A_238 : i32
      "tpu.region"() ({
        %run_scoped3A = tpu.sem_alloc : memref<!tpu.dma_semaphore, #tpu.memory_space<semaphore_mem>>
        %dma_start3A = tpu.memref_slice %arg3[%mul3A_239] : memref<2048xi32, #tpu.memory_space<hbm>> -> memref<256xi32, #tpu.memory_space<hbm>>
        %dma_start3A_240 = tpu.memref_slice %arg3[%mul3A_239] : memref<2048xi32, #tpu.memory_space<hbm>> -> memref<256xi32, #tpu.memory_space<hbm>>
        tpu.enqueue_dma source(%arg9 : memref<256xi32, #tpu.memory_space<vmem>>) target(%dma_start3A_240 : memref<256xi32, #tpu.memory_space<hbm>>) target_semaphore(%run_scoped3A : memref<!tpu.dma_semaphore, #tpu.memory_space<semaphore_mem>>)
        %dma_wait3A = tpu.memref_slice %arg3[%mul3A_239] : memref<2048xi32, #tpu.memory_space<hbm>> -> memref<256xi32, #tpu.memory_space<hbm>>
        %dma_wait3A_241 = tpu.memref_slice %arg3[%mul3A_239] : memref<2048xi32, #tpu.memory_space<hbm>> -> memref<256xi32, #tpu.memory_space<hbm>>
        tpu.wait_dma2 semaphore(%run_scoped3A : memref<!tpu.dma_semaphore, #tpu.memory_space<semaphore_mem>>) src(%arg9 : memref<256xi32, #tpu.memory_space<vmem>>) dst(%dma_wait3A_241 : memref<256xi32, #tpu.memory_space<hbm>>)
        tpu.yield
      }) : () -> ()
    } else {
    }
    return
  }
}

#map = affine_map<(d0, d1) -> (0)>
module attributes {stable_mosaic.version = 14 : i64} {
  func.func @k(%arg0: i32, %arg1: i32, %arg2: memref<67108864xf32, #tpu.memory_space<hbm>>, %arg3: memref<2048xi32, #tpu.memory_space<hbm>>, %arg4: memref<2048xf32, #tpu.memory_space<hbm>>, %arg5: memref<256xi32, #tpu.memory_space<vmem>>, %arg6: memref<128x128xi32, #tpu.memory_space<vmem>>, %arg7: memref<128x128xf32, #tpu.memory_space<vmem>>, %arg8: memref<64xf32, #tpu.memory_space<vmem>>, %arg9: memref<!tpu.dma_semaphore, #tpu.memory_space<semaphore_mem>>) attributes {dimension_semantics = [#tpu.dimension_semantics<core_parallel>, #tpu.dimension_semantics<subcore_parallel>], iteration_bounds = array<i64: 2, 16>, scalar_prefetch = 0 : i64, scratch_operands = 5 : i64, tpu.core_type = #tpu.core_type<sc_vector_subcore>, window_params = [{transform_indices = #map}, {transform_indices = #map}, {transform_indices = #map}]} {
    %mul3A = arith.constant 16 : i32
    %mul3A_0 = arith.muli %arg0, %mul3A : i32
    %add3A = arith.addi %mul3A_0, %arg1 : i32
    %jit3A = arith.constant 4 : i32
    %div3A = arith.divsi %add3A, %jit3A : i32
    %sign3A = arith.constant 0 : i32
    %sign3A_1 = arith.cmpi sgt, %add3A, %sign3A : i32
    %sign3A_2 = arith.extui %sign3A_1 : i1 to i32
    %sign3A_3 = arith.constant 0 : i32
    %sign3A_4 = arith.cmpi slt, %add3A, %sign3A_3 : i32
    %sign3A_5 = arith.extui %sign3A_4 : i1 to i32
    %sign3A_6 = arith.subi %sign3A_2, %sign3A_5 : i32
    %sign3A_7 = arith.constant 0 : i32
    %sign3A_8 = arith.cmpi sgt, %jit3A, %sign3A_7 : i32
    %sign3A_9 = arith.extui %sign3A_8 : i1 to i32
    %sign3A_10 = arith.constant 0 : i32
    %sign3A_11 = arith.cmpi slt, %jit3A, %sign3A_10 : i32
    %sign3A_12 = arith.extui %sign3A_11 : i1 to i32
    %sign3A_13 = arith.subi %sign3A_9, %sign3A_12 : i32
    %ne3A = arith.cmpi ne, %sign3A_6, %sign3A_13 : i32
    %rem3A = arith.remsi %add3A, %jit3A : i32
    %ne3A_14 = arith.constant 0 : i32
    %ne3A_15 = arith.cmpi ne, %rem3A, %ne3A_14 : i32
    %and3A = arith.andi %ne3A, %ne3A_15 : i1
    %sub3A = arith.constant 1 : i32
    %sub3A_16 = arith.subi %div3A, %sub3A : i32
    %select_n3A = arith.select %and3A, %sub3A_16, %div3A : i32
    %jit3A_17 = arith.constant 4 : i32
    %eq3A = arith.constant 0 : i32
    %eq3A_18 = arith.cmpi eq, %jit3A_17, %eq3A : i32
    %jit3A_19 = arith.constant 1 : i32
    %select_n3A_20 = arith.select %eq3A_18, %jit3A_19, %jit3A_17 : i32
    %rem3A_21 = arith.remsi %add3A, %select_n3A_20 : i32
    %ne3A_22 = arith.constant 0 : i32
    %ne3A_23 = arith.cmpi ne, %rem3A_21, %ne3A_22 : i32
    %lt3A = arith.constant 0 : i32
    %lt3A_24 = arith.cmpi slt, %rem3A_21, %lt3A : i32
    %lt3A_25 = arith.constant 0 : i32
    %lt3A_26 = arith.cmpi slt, %select_n3A_20, %lt3A_25 : i32
    %ne3A_27 = arith.xori %lt3A_24, %lt3A_26 : i1
    %and3A_28 = arith.andi %ne3A_27, %ne3A_23 : i1
    %add3A_29 = arith.addi %rem3A_21, %select_n3A_20 : i32
    %select_n3A_30 = arith.select %and3A_28, %add3A_29, %rem3A_21 : i32
    %mul3A_31 = arith.constant 256 : i32
    %mul3A_32 = arith.muli %select_n3A, %mul3A_31 : i32
    "tpu.region"() ({
      %run_scoped3A = tpu.sem_alloc : memref<!tpu.dma_semaphore, #tpu.memory_space<semaphore_mem>>
      %dma_start3A = tpu.memref_slice %arg3[%mul3A_32] : memref<2048xi32, #tpu.memory_space<hbm>> -> memref<256xi32, #tpu.memory_space<hbm>>
      %dma_start3A_55 = tpu.memref_slice %arg3[%mul3A_32] : memref<2048xi32, #tpu.memory_space<hbm>> -> memref<256xi32, #tpu.memory_space<hbm>>
      tpu.enqueue_dma source(%dma_start3A_55 : memref<256xi32, #tpu.memory_space<hbm>>) target(%arg5 : memref<256xi32, #tpu.memory_space<vmem>>) target_semaphore(%run_scoped3A : memref<!tpu.dma_semaphore, #tpu.memory_space<semaphore_mem>>)
      %dma_wait3A = tpu.memref_slice %arg3[%mul3A_32] : memref<2048xi32, #tpu.memory_space<hbm>> -> memref<256xi32, #tpu.memory_space<hbm>>
      %dma_wait3A_56 = tpu.memref_slice %arg3[%mul3A_32] : memref<2048xi32, #tpu.memory_space<hbm>> -> memref<256xi32, #tpu.memory_space<hbm>>
      tpu.wait_dma2 semaphore(%run_scoped3A : memref<!tpu.dma_semaphore, #tpu.memory_space<semaphore_mem>>) src(%dma_wait3A_56 : memref<256xi32, #tpu.memory_space<hbm>>) dst(%arg5 : memref<256xi32, #tpu.memory_space<vmem>>)
      tpu.yield
    }) : () -> ()
    %scan3A = arith.constant 0 : i32
    %scan3A_33 = arith.constant 0 : i32
    %scan3A_34 = arith.constant 128 : i32
    %scan3A_35 = arith.addi %scan3A_33, %scan3A_34 : i32
    %scan3A_36 = arith.constant 1 : i32
    %scan3A_37 = scf.for %scan3A_55 = %scan3A_33 to %scan3A_35 step %scan3A_36 iter_args(%scan3A_56 = %scan3A) -> (i32)  : i32 {
      %mul3A_57 = arith.constant 256 : i32
      %mul3A_58 = arith.muli %select_n3A, %mul3A_57 : i32
      %mul3A_59 = arith.constant 64 : i32
      %mul3A_60 = arith.muli %select_n3A_30, %mul3A_59 : i32
      %add3A_61 = arith.addi %mul3A_58, %mul3A_60 : i32
      %jit3A_62 = arith.constant 2 : i32
      %div3A_63 = arith.divsi %scan3A_55, %jit3A_62 : i32
      %sign3A_64 = arith.constant 0 : i32
      %sign3A_65 = arith.cmpi sgt, %scan3A_55, %sign3A_64 : i32
      %sign3A_66 = arith.extui %sign3A_65 : i1 to i32
      %sign3A_67 = arith.constant 0 : i32
      %sign3A_68 = arith.cmpi slt, %scan3A_55, %sign3A_67 : i32
      %sign3A_69 = arith.extui %sign3A_68 : i1 to i32
      %sign3A_70 = arith.subi %sign3A_66, %sign3A_69 : i32
      %sign3A_71 = arith.constant 0 : i32
      %sign3A_72 = arith.cmpi sgt, %jit3A_62, %sign3A_71 : i32
      %sign3A_73 = arith.extui %sign3A_72 : i1 to i32
      %sign3A_74 = arith.constant 0 : i32
      %sign3A_75 = arith.cmpi slt, %jit3A_62, %sign3A_74 : i32
      %sign3A_76 = arith.extui %sign3A_75 : i1 to i32
      %sign3A_77 = arith.subi %sign3A_73, %sign3A_76 : i32
      %ne3A_78 = arith.cmpi ne, %sign3A_70, %sign3A_77 : i32
      %rem3A_79 = arith.remsi %scan3A_55, %jit3A_62 : i32
      %ne3A_80 = arith.constant 0 : i32
      %ne3A_81 = arith.cmpi ne, %rem3A_79, %ne3A_80 : i32
      %and3A_82 = arith.andi %ne3A_78, %ne3A_81 : i1
      %sub3A_83 = arith.constant 1 : i32
      %sub3A_84 = arith.subi %div3A_63, %sub3A_83 : i32
      %select_n3A_85 = arith.select %and3A_82, %sub3A_84, %div3A_63 : i32
      %add3A_86 = arith.addi %add3A_61, %select_n3A_85 : i32
      %mul3A_87 = arith.constant 32768 : i32
      %mul3A_88 = arith.muli %add3A_86, %mul3A_87 : i32
      %jit3A_89 = arith.constant 2 : i32
      %eq3A_90 = arith.constant 0 : i32
      %eq3A_91 = arith.cmpi eq, %jit3A_89, %eq3A_90 : i32
      %jit3A_92 = arith.constant 1 : i32
      %select_n3A_93 = arith.select %eq3A_91, %jit3A_92, %jit3A_89 : i32
      %rem3A_94 = arith.remsi %scan3A_55, %select_n3A_93 : i32
      %ne3A_95 = arith.constant 0 : i32
      %ne3A_96 = arith.cmpi ne, %rem3A_94, %ne3A_95 : i32
      %lt3A_97 = arith.constant 0 : i32
      %lt3A_98 = arith.cmpi slt, %rem3A_94, %lt3A_97 : i32
      %lt3A_99 = arith.constant 0 : i32
      %lt3A_100 = arith.cmpi slt, %select_n3A_93, %lt3A_99 : i32
      %ne3A_101 = arith.xori %lt3A_98, %lt3A_100 : i1
      %and3A_102 = arith.andi %ne3A_101, %ne3A_96 : i1
      %add3A_103 = arith.addi %rem3A_94, %select_n3A_93 : i32
      %select_n3A_104 = arith.select %and3A_102, %add3A_103, %rem3A_94 : i32
      %mul3A_105 = arith.constant 128 : i32
      %mul3A_106 = arith.muli %select_n3A_104, %mul3A_105 : i32
      %add3A_107 = arith.constant 0 : i32
      %add3A_108 = arith.addi %mul3A_106, %add3A_107 : i32
      %get3A = arith.index_cast %add3A_108 : i32 to index
      %get3A_109 = tpu.vector_load %arg5[%get3A] {strides = array<i32>} : memref<256xi32, #tpu.memory_space<vmem>>, vector<16xi32>,
      %add3A_110 = vector.broadcast %mul3A_88 : i32 to vector<16xi32>
      %add3A_111 = arith.addi %get3A_109, %add3A_110 : vector<16xi32>
      %swap3A = arith.index_cast %scan3A_55 : i32 to index
      %swap3A_112 = arith.constant 0 : index
      %swap3A_113 = tpu.vector_load %arg6[%swap3A, %swap3A_112] {strides = array<i32>} : memref<128x128xi32, #tpu.memory_space<vmem>>, vector<16xi32>,
      tpu.vector_store %arg6[%swap3A, %swap3A_112], %add3A_111 {strides = array<i32>} : memref<128x128xi32, #tpu.memory_space<vmem>>, vector<16xi32>,
      %add3A_114 = arith.constant 16 : i32
      %add3A_115 = arith.addi %mul3A_106, %add3A_114 : i32
      %get3A_116 = arith.index_cast %add3A_115 : i32 to index
      %get3A_117 = tpu.vector_load %arg5[%get3A_116] {strides = array<i32>} : memref<256xi32, #tpu.memory_space<vmem>>, vector<16xi32>,
      %add3A_118 = vector.broadcast %mul3A_88 : i32 to vector<16xi32>
      %add3A_119 = arith.addi %get3A_117, %add3A_118 : vector<16xi32>
      %swap3A_120 = arith.index_cast %scan3A_55 : i32 to index
      %swap3A_121 = arith.constant 16 : index
      %swap3A_122 = tpu.vector_load %arg6[%swap3A_120, %swap3A_121] {strides = array<i32>} : memref<128x128xi32, #tpu.memory_space<vmem>>, vector<16xi32>,
      tpu.vector_store %arg6[%swap3A_120, %swap3A_121], %add3A_119 {strides = array<i32>} : memref<128x128xi32, #tpu.memory_space<vmem>>, vector<16xi32>,
      %add3A_123 = arith.constant 32 : i32
      %add3A_124 = arith.addi %mul3A_106, %add3A_123 : i32
      %get3A_125 = arith.index_cast %add3A_124 : i32 to index
      %get3A_126 = tpu.vector_load %arg5[%get3A_125] {strides = array<i32>} : memref<256xi32, #tpu.memory_space<vmem>>, vector<16xi32>,
      %add3A_127 = vector.broadcast %mul3A_88 : i32 to vector<16xi32>
      %add3A_128 = arith.addi %get3A_126, %add3A_127 : vector<16xi32>
      %swap3A_129 = arith.index_cast %scan3A_55 : i32 to index
      %swap3A_130 = arith.constant 32 : index
      %swap3A_131 = tpu.vector_load %arg6[%swap3A_129, %swap3A_130] {strides = array<i32>} : memref<128x128xi32, #tpu.memory_space<vmem>>, vector<16xi32>,
      tpu.vector_store %arg6[%swap3A_129, %swap3A_130], %add3A_128 {strides = array<i32>} : memref<128x128xi32, #tpu.memory_space<vmem>>, vector<16xi32>,
      %add3A_132 = arith.constant 48 : i32
      %add3A_133 = arith.addi %mul3A_106, %add3A_132 : i32
      %get3A_134 = arith.index_cast %add3A_133 : i32 to index
      %get3A_135 = tpu.vector_load %arg5[%get3A_134] {strides = array<i32>} : memref<256xi32, #tpu.memory_space<vmem>>, vector<16xi32>,
      %add3A_136 = vector.broadcast %mul3A_88 : i32 to vector<16xi32>
      %add3A_137 = arith.addi %get3A_135, %add3A_136 : vector<16xi32>
      %swap3A_138 = arith.index_cast %scan3A_55 : i32 to index
      %swap3A_139 = arith.constant 48 : index
      %swap3A_140 = tpu.vector_load %arg6[%swap3A_138, %swap3A_139] {strides = array<i32>} : memref<128x128xi32, #tpu.memory_space<vmem>>, vector<16xi32>,
      tpu.vector_store %arg6[%swap3A_138, %swap3A_139], %add3A_137 {strides = array<i32>} : memref<128x128xi32, #tpu.memory_space<vmem>>, vector<16xi32>,
      %add3A_141 = arith.constant 64 : i32
      %add3A_142 = arith.addi %mul3A_106, %add3A_141 : i32
      %get3A_143 = arith.index_cast %add3A_142 : i32 to index
      %get3A_144 = tpu.vector_load %arg5[%get3A_143] {strides = array<i32>} : memref<256xi32, #tpu.memory_space<vmem>>, vector<16xi32>,
      %add3A_145 = vector.broadcast %mul3A_88 : i32 to vector<16xi32>
      %add3A_146 = arith.addi %get3A_144, %add3A_145 : vector<16xi32>
      %swap3A_147 = arith.index_cast %scan3A_55 : i32 to index
      %swap3A_148 = arith.constant 64 : index
      %swap3A_149 = tpu.vector_load %arg6[%swap3A_147, %swap3A_148] {strides = array<i32>} : memref<128x128xi32, #tpu.memory_space<vmem>>, vector<16xi32>,
      tpu.vector_store %arg6[%swap3A_147, %swap3A_148], %add3A_146 {strides = array<i32>} : memref<128x128xi32, #tpu.memory_space<vmem>>, vector<16xi32>,
      %add3A_150 = arith.constant 80 : i32
      %add3A_151 = arith.addi %mul3A_106, %add3A_150 : i32
      %get3A_152 = arith.index_cast %add3A_151 : i32 to index
      %get3A_153 = tpu.vector_load %arg5[%get3A_152] {strides = array<i32>} : memref<256xi32, #tpu.memory_space<vmem>>, vector<16xi32>,
      %add3A_154 = vector.broadcast %mul3A_88 : i32 to vector<16xi32>
      %add3A_155 = arith.addi %get3A_153, %add3A_154 : vector<16xi32>
      %swap3A_156 = arith.index_cast %scan3A_55 : i32 to index
      %swap3A_157 = arith.constant 80 : index
      %swap3A_158 = tpu.vector_load %arg6[%swap3A_156, %swap3A_157] {strides = array<i32>} : memref<128x128xi32, #tpu.memory_space<vmem>>, vector<16xi32>,
      tpu.vector_store %arg6[%swap3A_156, %swap3A_157], %add3A_155 {strides = array<i32>} : memref<128x128xi32, #tpu.memory_space<vmem>>, vector<16xi32>,
      %add3A_159 = arith.constant 96 : i32
      %add3A_160 = arith.addi %mul3A_106, %add3A_159 : i32
      %get3A_161 = arith.index_cast %add3A_160 : i32 to index
      %get3A_162 = tpu.vector_load %arg5[%get3A_161] {strides = array<i32>} : memref<256xi32, #tpu.memory_space<vmem>>, vector<16xi32>,
      %add3A_163 = vector.broadcast %mul3A_88 : i32 to vector<16xi32>
      %add3A_164 = arith.addi %get3A_162, %add3A_163 : vector<16xi32>
      %swap3A_165 = arith.index_cast %scan3A_55 : i32 to index
      %swap3A_166 = arith.constant 96 : index
      %swap3A_167 = tpu.vector_load %arg6[%swap3A_165, %swap3A_166] {strides = array<i32>} : memref<128x128xi32, #tpu.memory_space<vmem>>, vector<16xi32>,
      tpu.vector_store %arg6[%swap3A_165, %swap3A_166], %add3A_164 {strides = array<i32>} : memref<128x128xi32, #tpu.memory_space<vmem>>, vector<16xi32>,
      %add3A_168 = arith.constant 112 : i32
      %add3A_169 = arith.addi %mul3A_106, %add3A_168 : i32
      %get3A_170 = arith.index_cast %add3A_169 : i32 to index
      %get3A_171 = tpu.vector_load %arg5[%get3A_170] {strides = array<i32>} : memref<256xi32, #tpu.memory_space<vmem>>, vector<16xi32>,
      %add3A_172 = vector.broadcast %mul3A_88 : i32 to vector<16xi32>
      %add3A_173 = arith.addi %get3A_171, %add3A_172 : vector<16xi32>
      %swap3A_174 = arith.index_cast %scan3A_55 : i32 to index
      %swap3A_175 = arith.constant 112 : index
      %swap3A_176 = tpu.vector_load %arg6[%swap3A_174, %swap3A_175] {strides = array<i32>} : memref<128x128xi32, #tpu.memory_space<vmem>>, vector<16xi32>,
      tpu.vector_store %arg6[%swap3A_174, %swap3A_175], %add3A_173 {strides = array<i32>} : memref<128x128xi32, #tpu.memory_space<vmem>>, vector<16xi32>,
      %scan3A_177 = arith.constant 0 : i32
      scf.yield %scan3A_177 : i32
    }
    %scan3A_38 = arith.constant 128 : i32
    %scan3A_39 = arith.constant 0 : i32
    %scan3A_40 = arith.constant 0 : i32
    %scan3A_41 = arith.constant 16 : i32
    %scan3A_42 = arith.addi %scan3A_40, %scan3A_41 : i32
    %scan3A_43 = arith.constant 1 : i32
    %scan3A_44 = scf.for %scan3A_55 = %scan3A_40 to %scan3A_42 step %scan3A_43 iter_args(%scan3A_56 = %scan3A_39) -> (i32)  : i32 {
      %mul3A_57 = arith.constant 8 : i32
      %mul3A_58 = arith.muli %scan3A_55, %mul3A_57 : i32
      %add3A_59 = arith.constant 0 : i32
      %add3A_60 = arith.addi %mul3A_58, %add3A_59 : i32
      %dma_start3A = arith.constant 0 : i32
      %dma_start3A_61 = tpu.memref_slice %arg7[%add3A_60, %dma_start3A] : memref<128x128xf32, #tpu.memory_space<vmem>> -> memref<1x128xf32, #tpu.memory_space<vmem>>
      %dma_start3A_62 = tpu.memref_squeeze %dma_start3A_61 : memref<1x128xf32, #tpu.memory_space<vmem>> -> memref<128xf32, #tpu.memory_space<vmem>>
      %dma_start3A_63 = arith.constant 0 : i32
      %dma_start3A_64 = tpu.memref_slice %arg6[%add3A_60, %dma_start3A_63] : memref<128x128xi32, #tpu.memory_space<vmem>> -> memref<1x128xi32, #tpu.memory_space<vmem>>
      %dma_start3A_65 = tpu.memref_squeeze %dma_start3A_64 : memref<1x128xi32, #tpu.memory_space<vmem>> -> memref<128xi32, #tpu.memory_space<vmem>>
      %dma_start3A_66 = arith.constant 0 : i32
      %dma_start3A_67 = tpu.memref_slice %arg2[%dma_start3A_66] : memref<67108864xf32, #tpu.memory_space<hbm>> -> memref<67108864xf32, #tpu.memory_space<hbm>>
      tpu.enqueue_indirect_dma source(%dma_start3A_67 : memref<67108864xf32, #tpu.memory_space<hbm>>) target(%dma_start3A_62 : memref<128xf32, #tpu.memory_space<vmem>>) offsets(%dma_start3A_65 : memref<128xi32, #tpu.memory_space<vmem>>) semaphore(%arg9 : memref<!tpu.dma_semaphore, #tpu.memory_space<semaphore_mem>>)
      %mul3A_68 = arith.constant 8 : i32
      %mul3A_69 = arith.muli %scan3A_55, %mul3A_68 : i32
      %add3A_70 = arith.constant 1 : i32
      %add3A_71 = arith.addi %mul3A_69, %add3A_70 : i32
      %dma_start3A_72 = arith.constant 0 : i32
      %dma_start3A_73 = tpu.memref_slice %arg7[%add3A_71, %dma_start3A_72] : memref<128x128xf32, #tpu.memory_space<vmem>> -> memref<1x128xf32, #tpu.memory_space<vmem>>
      %dma_start3A_74 = tpu.memref_squeeze %dma_start3A_73 : memref<1x128xf32, #tpu.memory_space<vmem>> -> memref<128xf32, #tpu.memory_space<vmem>>
      %dma_start3A_75 = arith.constant 0 : i32
      %dma_start3A_76 = tpu.memref_slice %arg6[%add3A_71, %dma_start3A_75] : memref<128x128xi32, #tpu.memory_space<vmem>> -> memref<1x128xi32, #tpu.memory_space<vmem>>
      %dma_start3A_77 = tpu.memref_squeeze %dma_start3A_76 : memref<1x128xi32, #tpu.memory_space<vmem>> -> memref<128xi32, #tpu.memory_space<vmem>>
      %dma_start3A_78 = arith.constant 0 : i32
      %dma_start3A_79 = tpu.memref_slice %arg2[%dma_start3A_78] : memref<67108864xf32, #tpu.memory_space<hbm>> -> memref<67108864xf32, #tpu.memory_space<hbm>>
      tpu.enqueue_indirect_dma source(%dma_start3A_79 : memref<67108864xf32, #tpu.memory_space<hbm>>) target(%dma_start3A_74 : memref<128xf32, #tpu.memory_space<vmem>>) offsets(%dma_start3A_77 : memref<128xi32, #tpu.memory_space<vmem>>) semaphore(%arg9 : memref<!tpu.dma_semaphore, #tpu.memory_space<semaphore_mem>>)
      %mul3A_80 = arith.constant 8 : i32
      %mul3A_81 = arith.muli %scan3A_55, %mul3A_80 : i32
      %add3A_82 = arith.constant 2 : i32
      %add3A_83 = arith.addi %mul3A_81, %add3A_82 : i32
      %dma_start3A_84 = arith.constant 0 : i32
      %dma_start3A_85 = tpu.memref_slice %arg7[%add3A_83, %dma_start3A_84] : memref<128x128xf32, #tpu.memory_space<vmem>> -> memref<1x128xf32, #tpu.memory_space<vmem>>
      %dma_start3A_86 = tpu.memref_squeeze %dma_start3A_85 : memref<1x128xf32, #tpu.memory_space<vmem>> -> memref<128xf32, #tpu.memory_space<vmem>>
      %dma_start3A_87 = arith.constant 0 : i32
      %dma_start3A_88 = tpu.memref_slice %arg6[%add3A_83, %dma_start3A_87] : memref<128x128xi32, #tpu.memory_space<vmem>> -> memref<1x128xi32, #tpu.memory_space<vmem>>
      %dma_start3A_89 = tpu.memref_squeeze %dma_start3A_88 : memref<1x128xi32, #tpu.memory_space<vmem>> -> memref<128xi32, #tpu.memory_space<vmem>>
      %dma_start3A_90 = arith.constant 0 : i32
      %dma_start3A_91 = tpu.memref_slice %arg2[%dma_start3A_90] : memref<67108864xf32, #tpu.memory_space<hbm>> -> memref<67108864xf32, #tpu.memory_space<hbm>>
      tpu.enqueue_indirect_dma source(%dma_start3A_91 : memref<67108864xf32, #tpu.memory_space<hbm>>) target(%dma_start3A_86 : memref<128xf32, #tpu.memory_space<vmem>>) offsets(%dma_start3A_89 : memref<128xi32, #tpu.memory_space<vmem>>) semaphore(%arg9 : memref<!tpu.dma_semaphore, #tpu.memory_space<semaphore_mem>>)
      %mul3A_92 = arith.constant 8 : i32
      %mul3A_93 = arith.muli %scan3A_55, %mul3A_92 : i32
      %add3A_94 = arith.constant 3 : i32
      %add3A_95 = arith.addi %mul3A_93, %add3A_94 : i32
      %dma_start3A_96 = arith.constant 0 : i32
      %dma_start3A_97 = tpu.memref_slice %arg7[%add3A_95, %dma_start3A_96] : memref<128x128xf32, #tpu.memory_space<vmem>> -> memref<1x128xf32, #tpu.memory_space<vmem>>
      %dma_start3A_98 = tpu.memref_squeeze %dma_start3A_97 : memref<1x128xf32, #tpu.memory_space<vmem>> -> memref<128xf32, #tpu.memory_space<vmem>>
      %dma_start3A_99 = arith.constant 0 : i32
      %dma_start3A_100 = tpu.memref_slice %arg6[%add3A_95, %dma_start3A_99] : memref<128x128xi32, #tpu.memory_space<vmem>> -> memref<1x128xi32, #tpu.memory_space<vmem>>
      %dma_start3A_101 = tpu.memref_squeeze %dma_start3A_100 : memref<1x128xi32, #tpu.memory_space<vmem>> -> memref<128xi32, #tpu.memory_space<vmem>>
      %dma_start3A_102 = arith.constant 0 : i32
      %dma_start3A_103 = tpu.memref_slice %arg2[%dma_start3A_102] : memref<67108864xf32, #tpu.memory_space<hbm>> -> memref<67108864xf32, #tpu.memory_space<hbm>>
      tpu.enqueue_indirect_dma source(%dma_start3A_103 : memref<67108864xf32, #tpu.memory_space<hbm>>) target(%dma_start3A_98 : memref<128xf32, #tpu.memory_space<vmem>>) offsets(%dma_start3A_101 : memref<128xi32, #tpu.memory_space<vmem>>) semaphore(%arg9 : memref<!tpu.dma_semaphore, #tpu.memory_space<semaphore_mem>>)
      %mul3A_104 = arith.constant 8 : i32
      %mul3A_105 = arith.muli %scan3A_55, %mul3A_104 : i32
      %add3A_106 = arith.constant 4 : i32
      %add3A_107 = arith.addi %mul3A_105, %add3A_106 : i32
      %dma_start3A_108 = arith.constant 0 : i32
      %dma_start3A_109 = tpu.memref_slice %arg7[%add3A_107, %dma_start3A_108] : memref<128x128xf32, #tpu.memory_space<vmem>> -> memref<1x128xf32, #tpu.memory_space<vmem>>
      %dma_start3A_110 = tpu.memref_squeeze %dma_start3A_109 : memref<1x128xf32, #tpu.memory_space<vmem>> -> memref<128xf32, #tpu.memory_space<vmem>>
      %dma_start3A_111 = arith.constant 0 : i32
      %dma_start3A_112 = tpu.memref_slice %arg6[%add3A_107, %dma_start3A_111] : memref<128x128xi32, #tpu.memory_space<vmem>> -> memref<1x128xi32, #tpu.memory_space<vmem>>
      %dma_start3A_113 = tpu.memref_squeeze %dma_start3A_112 : memref<1x128xi32, #tpu.memory_space<vmem>> -> memref<128xi32, #tpu.memory_space<vmem>>
      %dma_start3A_114 = arith.constant 0 : i32
      %dma_start3A_115 = tpu.memref_slice %arg2[%dma_start3A_114] : memref<67108864xf32, #tpu.memory_space<hbm>> -> memref<67108864xf32, #tpu.memory_space<hbm>>
      tpu.enqueue_indirect_dma source(%dma_start3A_115 : memref<67108864xf32, #tpu.memory_space<hbm>>) target(%dma_start3A_110 : memref<128xf32, #tpu.memory_space<vmem>>) offsets(%dma_start3A_113 : memref<128xi32, #tpu.memory_space<vmem>>) semaphore(%arg9 : memref<!tpu.dma_semaphore, #tpu.memory_space<semaphore_mem>>)
      %mul3A_116 = arith.constant 8 : i32
      %mul3A_117 = arith.muli %scan3A_55, %mul3A_116 : i32
      %add3A_118 = arith.constant 5 : i32
      %add3A_119 = arith.addi %mul3A_117, %add3A_118 : i32
      %dma_start3A_120 = arith.constant 0 : i32
      %dma_start3A_121 = tpu.memref_slice %arg7[%add3A_119, %dma_start3A_120] : memref<128x128xf32, #tpu.memory_space<vmem>> -> memref<1x128xf32, #tpu.memory_space<vmem>>
      %dma_start3A_122 = tpu.memref_squeeze %dma_start3A_121 : memref<1x128xf32, #tpu.memory_space<vmem>> -> memref<128xf32, #tpu.memory_space<vmem>>
      %dma_start3A_123 = arith.constant 0 : i32
      %dma_start3A_124 = tpu.memref_slice %arg6[%add3A_119, %dma_start3A_123] : memref<128x128xi32, #tpu.memory_space<vmem>> -> memref<1x128xi32, #tpu.memory_space<vmem>>
      %dma_start3A_125 = tpu.memref_squeeze %dma_start3A_124 : memref<1x128xi32, #tpu.memory_space<vmem>> -> memref<128xi32, #tpu.memory_space<vmem>>
      %dma_start3A_126 = arith.constant 0 : i32
      %dma_start3A_127 = tpu.memref_slice %arg2[%dma_start3A_126] : memref<67108864xf32, #tpu.memory_space<hbm>> -> memref<67108864xf32, #tpu.memory_space<hbm>>
      tpu.enqueue_indirect_dma source(%dma_start3A_127 : memref<67108864xf32, #tpu.memory_space<hbm>>) target(%dma_start3A_122 : memref<128xf32, #tpu.memory_space<vmem>>) offsets(%dma_start3A_125 : memref<128xi32, #tpu.memory_space<vmem>>) semaphore(%arg9 : memref<!tpu.dma_semaphore, #tpu.memory_space<semaphore_mem>>)
      %mul3A_128 = arith.constant 8 : i32
      %mul3A_129 = arith.muli %scan3A_55, %mul3A_128 : i32
      %add3A_130 = arith.constant 6 : i32
      %add3A_131 = arith.addi %mul3A_129, %add3A_130 : i32
      %dma_start3A_132 = arith.constant 0 : i32
      %dma_start3A_133 = tpu.memref_slice %arg7[%add3A_131, %dma_start3A_132] : memref<128x128xf32, #tpu.memory_space<vmem>> -> memref<1x128xf32, #tpu.memory_space<vmem>>
      %dma_start3A_134 = tpu.memref_squeeze %dma_start3A_133 : memref<1x128xf32, #tpu.memory_space<vmem>> -> memref<128xf32, #tpu.memory_space<vmem>>
      %dma_start3A_135 = arith.constant 0 : i32
      %dma_start3A_136 = tpu.memref_slice %arg6[%add3A_131, %dma_start3A_135] : memref<128x128xi32, #tpu.memory_space<vmem>> -> memref<1x128xi32, #tpu.memory_space<vmem>>
      %dma_start3A_137 = tpu.memref_squeeze %dma_start3A_136 : memref<1x128xi32, #tpu.memory_space<vmem>> -> memref<128xi32, #tpu.memory_space<vmem>>
      %dma_start3A_138 = arith.constant 0 : i32
      %dma_start3A_139 = tpu.memref_slice %arg2[%dma_start3A_138] : memref<67108864xf32, #tpu.memory_space<hbm>> -> memref<67108864xf32, #tpu.memory_space<hbm>>
      tpu.enqueue_indirect_dma source(%dma_start3A_139 : memref<67108864xf32, #tpu.memory_space<hbm>>) target(%dma_start3A_134 : memref<128xf32, #tpu.memory_space<vmem>>) offsets(%dma_start3A_137 : memref<128xi32, #tpu.memory_space<vmem>>) semaphore(%arg9 : memref<!tpu.dma_semaphore, #tpu.memory_space<semaphore_mem>>)
      %mul3A_140 = arith.constant 8 : i32
      %mul3A_141 = arith.muli %scan3A_55, %mul3A_140 : i32
      %add3A_142 = arith.constant 7 : i32
      %add3A_143 = arith.addi %mul3A_141, %add3A_142 : i32
      %dma_start3A_144 = arith.constant 0 : i32
      %dma_start3A_145 = tpu.memref_slice %arg7[%add3A_143, %dma_start3A_144] : memref<128x128xf32, #tpu.memory_space<vmem>> -> memref<1x128xf32, #tpu.memory_space<vmem>>
      %dma_start3A_146 = tpu.memref_squeeze %dma_start3A_145 : memref<1x128xf32, #tpu.memory_space<vmem>> -> memref<128xf32, #tpu.memory_space<vmem>>
      %dma_start3A_147 = arith.constant 0 : i32
      %dma_start3A_148 = tpu.memref_slice %arg6[%add3A_143, %dma_start3A_147] : memref<128x128xi32, #tpu.memory_space<vmem>> -> memref<1x128xi32, #tpu.memory_space<vmem>>
      %dma_start3A_149 = tpu.memref_squeeze %dma_start3A_148 : memref<1x128xi32, #tpu.memory_space<vmem>> -> memref<128xi32, #tpu.memory_space<vmem>>
      %dma_start3A_150 = arith.constant 0 : i32
      %dma_start3A_151 = tpu.memref_slice %arg2[%dma_start3A_150] : memref<67108864xf32, #tpu.memory_space<hbm>> -> memref<67108864xf32, #tpu.memory_space<hbm>>
      tpu.enqueue_indirect_dma source(%dma_start3A_151 : memref<67108864xf32, #tpu.memory_space<hbm>>) target(%dma_start3A_146 : memref<128xf32, #tpu.memory_space<vmem>>) offsets(%dma_start3A_149 : memref<128xi32, #tpu.memory_space<vmem>>) semaphore(%arg9 : memref<!tpu.dma_semaphore, #tpu.memory_space<semaphore_mem>>)
      %dma_wait3A = arith.constant 0 : i32
      %dma_wait3A_152 = tpu.memref_slice %arg7[%add3A_60, %dma_wait3A] : memref<128x128xf32, #tpu.memory_space<vmem>> -> memref<1x128xf32, #tpu.memory_space<vmem>>
      %dma_wait3A_153 = tpu.memref_squeeze %dma_wait3A_152 : memref<1x128xf32, #tpu.memory_space<vmem>> -> memref<128xf32, #tpu.memory_space<vmem>>
      %dma_wait3A_154 = arith.constant 0 : i32
      %dma_wait3A_155 = tpu.memref_slice %arg6[%add3A_60, %dma_wait3A_154] : memref<128x128xi32, #tpu.memory_space<vmem>> -> memref<1x128xi32, #tpu.memory_space<vmem>>
      %dma_wait3A_156 = tpu.memref_squeeze %dma_wait3A_155 : memref<1x128xi32, #tpu.memory_space<vmem>> -> memref<128xi32, #tpu.memory_space<vmem>>
      %dma_wait3A_157 = arith.constant 0 : i32
      %dma_wait3A_158 = tpu.memref_slice %arg2[%dma_wait3A_157] : memref<67108864xf32, #tpu.memory_space<hbm>> -> memref<67108864xf32, #tpu.memory_space<hbm>>
      tpu.wait_indirect_dma semaphore(%arg9 : memref<!tpu.dma_semaphore, #tpu.memory_space<semaphore_mem>>) src(%dma_wait3A_158 : memref<67108864xf32, #tpu.memory_space<hbm>>) dst(%dma_wait3A_153 : memref<128xf32, #tpu.memory_space<vmem>>)
      %dma_wait3A_159 = arith.constant 0 : i32
      %dma_wait3A_160 = tpu.memref_slice %arg7[%add3A_71, %dma_wait3A_159] : memref<128x128xf32, #tpu.memory_space<vmem>> -> memref<1x128xf32, #tpu.memory_space<vmem>>
      %dma_wait3A_161 = tpu.memref_squeeze %dma_wait3A_160 : memref<1x128xf32, #tpu.memory_space<vmem>> -> memref<128xf32, #tpu.memory_space<vmem>>
      %dma_wait3A_162 = arith.constant 0 : i32
      %dma_wait3A_163 = tpu.memref_slice %arg6[%add3A_71, %dma_wait3A_162] : memref<128x128xi32, #tpu.memory_space<vmem>> -> memref<1x128xi32, #tpu.memory_space<vmem>>
      %dma_wait3A_164 = tpu.memref_squeeze %dma_wait3A_163 : memref<1x128xi32, #tpu.memory_space<vmem>> -> memref<128xi32, #tpu.memory_space<vmem>>
      %dma_wait3A_165 = arith.constant 0 : i32
      %dma_wait3A_166 = tpu.memref_slice %arg2[%dma_wait3A_165] : memref<67108864xf32, #tpu.memory_space<hbm>> -> memref<67108864xf32, #tpu.memory_space<hbm>>
      tpu.wait_indirect_dma semaphore(%arg9 : memref<!tpu.dma_semaphore, #tpu.memory_space<semaphore_mem>>) src(%dma_wait3A_166 : memref<67108864xf32, #tpu.memory_space<hbm>>) dst(%dma_wait3A_161 : memref<128xf32, #tpu.memory_space<vmem>>)
      %dma_wait3A_167 = arith.constant 0 : i32
      %dma_wait3A_168 = tpu.memref_slice %arg7[%add3A_83, %dma_wait3A_167] : memref<128x128xf32, #tpu.memory_space<vmem>> -> memref<1x128xf32, #tpu.memory_space<vmem>>
      %dma_wait3A_169 = tpu.memref_squeeze %dma_wait3A_168 : memref<1x128xf32, #tpu.memory_space<vmem>> -> memref<128xf32, #tpu.memory_space<vmem>>
      %dma_wait3A_170 = arith.constant 0 : i32
      %dma_wait3A_171 = tpu.memref_slice %arg6[%add3A_83, %dma_wait3A_170] : memref<128x128xi32, #tpu.memory_space<vmem>> -> memref<1x128xi32, #tpu.memory_space<vmem>>
      %dma_wait3A_172 = tpu.memref_squeeze %dma_wait3A_171 : memref<1x128xi32, #tpu.memory_space<vmem>> -> memref<128xi32, #tpu.memory_space<vmem>>
      %dma_wait3A_173 = arith.constant 0 : i32
      %dma_wait3A_174 = tpu.memref_slice %arg2[%dma_wait3A_173] : memref<67108864xf32, #tpu.memory_space<hbm>> -> memref<67108864xf32, #tpu.memory_space<hbm>>
      tpu.wait_indirect_dma semaphore(%arg9 : memref<!tpu.dma_semaphore, #tpu.memory_space<semaphore_mem>>) src(%dma_wait3A_174 : memref<67108864xf32, #tpu.memory_space<hbm>>) dst(%dma_wait3A_169 : memref<128xf32, #tpu.memory_space<vmem>>)
      %dma_wait3A_175 = arith.constant 0 : i32
      %dma_wait3A_176 = tpu.memref_slice %arg7[%add3A_95, %dma_wait3A_175] : memref<128x128xf32, #tpu.memory_space<vmem>> -> memref<1x128xf32, #tpu.memory_space<vmem>>
      %dma_wait3A_177 = tpu.memref_squeeze %dma_wait3A_176 : memref<1x128xf32, #tpu.memory_space<vmem>> -> memref<128xf32, #tpu.memory_space<vmem>>
      %dma_wait3A_178 = arith.constant 0 : i32
      %dma_wait3A_179 = tpu.memref_slice %arg6[%add3A_95, %dma_wait3A_178] : memref<128x128xi32, #tpu.memory_space<vmem>> -> memref<1x128xi32, #tpu.memory_space<vmem>>
      %dma_wait3A_180 = tpu.memref_squeeze %dma_wait3A_179 : memref<1x128xi32, #tpu.memory_space<vmem>> -> memref<128xi32, #tpu.memory_space<vmem>>
      %dma_wait3A_181 = arith.constant 0 : i32
      %dma_wait3A_182 = tpu.memref_slice %arg2[%dma_wait3A_181] : memref<67108864xf32, #tpu.memory_space<hbm>> -> memref<67108864xf32, #tpu.memory_space<hbm>>
      tpu.wait_indirect_dma semaphore(%arg9 : memref<!tpu.dma_semaphore, #tpu.memory_space<semaphore_mem>>) src(%dma_wait3A_182 : memref<67108864xf32, #tpu.memory_space<hbm>>) dst(%dma_wait3A_177 : memref<128xf32, #tpu.memory_space<vmem>>)
      %dma_wait3A_183 = arith.constant 0 : i32
      %dma_wait3A_184 = tpu.memref_slice %arg7[%add3A_107, %dma_wait3A_183] : memref<128x128xf32, #tpu.memory_space<vmem>> -> memref<1x128xf32, #tpu.memory_space<vmem>>
      %dma_wait3A_185 = tpu.memref_squeeze %dma_wait3A_184 : memref<1x128xf32, #tpu.memory_space<vmem>> -> memref<128xf32, #tpu.memory_space<vmem>>
      %dma_wait3A_186 = arith.constant 0 : i32
      %dma_wait3A_187 = tpu.memref_slice %arg6[%add3A_107, %dma_wait3A_186] : memref<128x128xi32, #tpu.memory_space<vmem>> -> memref<1x128xi32, #tpu.memory_space<vmem>>
      %dma_wait3A_188 = tpu.memref_squeeze %dma_wait3A_187 : memref<1x128xi32, #tpu.memory_space<vmem>> -> memref<128xi32, #tpu.memory_space<vmem>>
      %dma_wait3A_189 = arith.constant 0 : i32
      %dma_wait3A_190 = tpu.memref_slice %arg2[%dma_wait3A_189] : memref<67108864xf32, #tpu.memory_space<hbm>> -> memref<67108864xf32, #tpu.memory_space<hbm>>
      tpu.wait_indirect_dma semaphore(%arg9 : memref<!tpu.dma_semaphore, #tpu.memory_space<semaphore_mem>>) src(%dma_wait3A_190 : memref<67108864xf32, #tpu.memory_space<hbm>>) dst(%dma_wait3A_185 : memref<128xf32, #tpu.memory_space<vmem>>)
      %dma_wait3A_191 = arith.constant 0 : i32
      %dma_wait3A_192 = tpu.memref_slice %arg7[%add3A_119, %dma_wait3A_191] : memref<128x128xf32, #tpu.memory_space<vmem>> -> memref<1x128xf32, #tpu.memory_space<vmem>>
      %dma_wait3A_193 = tpu.memref_squeeze %dma_wait3A_192 : memref<1x128xf32, #tpu.memory_space<vmem>> -> memref<128xf32, #tpu.memory_space<vmem>>
      %dma_wait3A_194 = arith.constant 0 : i32
      %dma_wait3A_195 = tpu.memref_slice %arg6[%add3A_119, %dma_wait3A_194] : memref<128x128xi32, #tpu.memory_space<vmem>> -> memref<1x128xi32, #tpu.memory_space<vmem>>
      %dma_wait3A_196 = tpu.memref_squeeze %dma_wait3A_195 : memref<1x128xi32, #tpu.memory_space<vmem>> -> memref<128xi32, #tpu.memory_space<vmem>>
      %dma_wait3A_197 = arith.constant 0 : i32
      %dma_wait3A_198 = tpu.memref_slice %arg2[%dma_wait3A_197] : memref<67108864xf32, #tpu.memory_space<hbm>> -> memref<67108864xf32, #tpu.memory_space<hbm>>
      tpu.wait_indirect_dma semaphore(%arg9 : memref<!tpu.dma_semaphore, #tpu.memory_space<semaphore_mem>>) src(%dma_wait3A_198 : memref<67108864xf32, #tpu.memory_space<hbm>>) dst(%dma_wait3A_193 : memref<128xf32, #tpu.memory_space<vmem>>)
      %dma_wait3A_199 = arith.constant 0 : i32
      %dma_wait3A_200 = tpu.memref_slice %arg7[%add3A_131, %dma_wait3A_199] : memref<128x128xf32, #tpu.memory_space<vmem>> -> memref<1x128xf32, #tpu.memory_space<vmem>>
      %dma_wait3A_201 = tpu.memref_squeeze %dma_wait3A_200 : memref<1x128xf32, #tpu.memory_space<vmem>> -> memref<128xf32, #tpu.memory_space<vmem>>
      %dma_wait3A_202 = arith.constant 0 : i32
      %dma_wait3A_203 = tpu.memref_slice %arg6[%add3A_131, %dma_wait3A_202] : memref<128x128xi32, #tpu.memory_space<vmem>> -> memref<1x128xi32, #tpu.memory_space<vmem>>
      %dma_wait3A_204 = tpu.memref_squeeze %dma_wait3A_203 : memref<1x128xi32, #tpu.memory_space<vmem>> -> memref<128xi32, #tpu.memory_space<vmem>>
      %dma_wait3A_205 = arith.constant 0 : i32
      %dma_wait3A_206 = tpu.memref_slice %arg2[%dma_wait3A_205] : memref<67108864xf32, #tpu.memory_space<hbm>> -> memref<67108864xf32, #tpu.memory_space<hbm>>
      tpu.wait_indirect_dma semaphore(%arg9 : memref<!tpu.dma_semaphore, #tpu.memory_space<semaphore_mem>>) src(%dma_wait3A_206 : memref<67108864xf32, #tpu.memory_space<hbm>>) dst(%dma_wait3A_201 : memref<128xf32, #tpu.memory_space<vmem>>)
      %dma_wait3A_207 = arith.constant 0 : i32
      %dma_wait3A_208 = tpu.memref_slice %arg7[%add3A_143, %dma_wait3A_207] : memref<128x128xf32, #tpu.memory_space<vmem>> -> memref<1x128xf32, #tpu.memory_space<vmem>>
      %dma_wait3A_209 = tpu.memref_squeeze %dma_wait3A_208 : memref<1x128xf32, #tpu.memory_space<vmem>> -> memref<128xf32, #tpu.memory_space<vmem>>
      %dma_wait3A_210 = arith.constant 0 : i32
      %dma_wait3A_211 = tpu.memref_slice %arg6[%add3A_143, %dma_wait3A_210] : memref<128x128xi32, #tpu.memory_space<vmem>> -> memref<1x128xi32, #tpu.memory_space<vmem>>
      %dma_wait3A_212 = tpu.memref_squeeze %dma_wait3A_211 : memref<1x128xi32, #tpu.memory_space<vmem>> -> memref<128xi32, #tpu.memory_space<vmem>>
      %dma_wait3A_213 = arith.constant 0 : i32
      %dma_wait3A_214 = tpu.memref_slice %arg2[%dma_wait3A_213] : memref<67108864xf32, #tpu.memory_space<hbm>> -> memref<67108864xf32, #tpu.memory_space<hbm>>
      tpu.wait_indirect_dma semaphore(%arg9 : memref<!tpu.dma_semaphore, #tpu.memory_space<semaphore_mem>>) src(%dma_wait3A_214 : memref<67108864xf32, #tpu.memory_space<hbm>>) dst(%dma_wait3A_209 : memref<128xf32, #tpu.memory_space<vmem>>)
      %scan3A_215 = arith.constant 0 : i32
      scf.yield %scan3A_215 : i32
    }
    %scan3A_45 = arith.constant 16 : i32
    %iota3A = tpu.iota {dimensions = array<i32: 0>} : vector<16xi32>
    %scan3A_46 = arith.constant 0 : i32
    %scan3A_47 = arith.constant 0 : i32
    %scan3A_48 = arith.constant 64 : i32
    %scan3A_49 = arith.addi %scan3A_47, %scan3A_48 : i32
    %scan3A_50 = arith.constant 1 : i32
    %scan3A_51 = scf.for %scan3A_55 = %scan3A_47 to %scan3A_49 step %scan3A_50 iter_args(%scan3A_56 = %scan3A_46) -> (i32)  : i32 {
      %broadcast_in_dim3A = arith.constant 0.000000e+00 : f32
      %broadcast_in_dim3A_57 = vector.broadcast %broadcast_in_dim3A : f32 to vector<16xf32>
      %mul3A_58 = arith.constant 2 : i32
      %mul3A_59 = arith.muli %mul3A_58, %scan3A_55 : i32
      %get3A = arith.index_cast %mul3A_59 : i32 to index
      %get3A_60 = arith.constant 0 : index
      %get3A_61 = tpu.vector_load %arg7[%get3A, %get3A_60] {strides = array<i32>} : memref<128x128xf32, #tpu.memory_space<vmem>>, vector<16xf32>,
      %add3A_62 = arith.addf %broadcast_in_dim3A_57, %get3A_61 : vector<16xf32>
      %mul3A_63 = arith.constant 2 : i32
      %mul3A_64 = arith.muli %mul3A_63, %scan3A_55 : i32
      %get3A_65 = arith.index_cast %mul3A_64 : i32 to index
      %get3A_66 = arith.constant 16 : index
      %get3A_67 = tpu.vector_load %arg7[%get3A_65, %get3A_66] {strides = array<i32>} : memref<128x128xf32, #tpu.memory_space<vmem>>, vector<16xf32>,
      %add3A_68 = arith.addf %add3A_62, %get3A_67 : vector<16xf32>
      %mul3A_69 = arith.constant 2 : i32
      %mul3A_70 = arith.muli %mul3A_69, %scan3A_55 : i32
      %get3A_71 = arith.index_cast %mul3A_70 : i32 to index
      %get3A_72 = arith.constant 32 : index
      %get3A_73 = tpu.vector_load %arg7[%get3A_71, %get3A_72] {strides = array<i32>} : memref<128x128xf32, #tpu.memory_space<vmem>>, vector<16xf32>,
      %add3A_74 = arith.addf %add3A_68, %get3A_73 : vector<16xf32>
      %mul3A_75 = arith.constant 2 : i32
      %mul3A_76 = arith.muli %mul3A_75, %scan3A_55 : i32
      %get3A_77 = arith.index_cast %mul3A_76 : i32 to index
      %get3A_78 = arith.constant 48 : index
      %get3A_79 = tpu.vector_load %arg7[%get3A_77, %get3A_78] {strides = array<i32>} : memref<128x128xf32, #tpu.memory_space<vmem>>, vector<16xf32>,
      %add3A_80 = arith.addf %add3A_74, %get3A_79 : vector<16xf32>
      %mul3A_81 = arith.constant 2 : i32
      %mul3A_82 = arith.muli %mul3A_81, %scan3A_55 : i32
      %get3A_83 = arith.index_cast %mul3A_82 : i32 to index
      %get3A_84 = arith.constant 64 : index
      %get3A_85 = tpu.vector_load %arg7[%get3A_83, %get3A_84] {strides = array<i32>} : memref<128x128xf32, #tpu.memory_space<vmem>>, vector<16xf32>,
      %add3A_86 = arith.addf %add3A_80, %get3A_85 : vector<16xf32>
      %mul3A_87 = arith.constant 2 : i32
      %mul3A_88 = arith.muli %mul3A_87, %scan3A_55 : i32
      %get3A_89 = arith.index_cast %mul3A_88 : i32 to index
      %get3A_90 = arith.constant 80 : index
      %get3A_91 = tpu.vector_load %arg7[%get3A_89, %get3A_90] {strides = array<i32>} : memref<128x128xf32, #tpu.memory_space<vmem>>, vector<16xf32>,
      %add3A_92 = arith.addf %add3A_86, %get3A_91 : vector<16xf32>
      %mul3A_93 = arith.constant 2 : i32
      %mul3A_94 = arith.muli %mul3A_93, %scan3A_55 : i32
      %get3A_95 = arith.index_cast %mul3A_94 : i32 to index
      %get3A_96 = arith.constant 96 : index
      %get3A_97 = tpu.vector_load %arg7[%get3A_95, %get3A_96] {strides = array<i32>} : memref<128x128xf32, #tpu.memory_space<vmem>>, vector<16xf32>,
      %add3A_98 = arith.addf %add3A_92, %get3A_97 : vector<16xf32>
      %mul3A_99 = arith.constant 2 : i32
      %mul3A_100 = arith.muli %mul3A_99, %scan3A_55 : i32
      %get3A_101 = arith.index_cast %mul3A_100 : i32 to index
      %get3A_102 = arith.constant 112 : index
      %get3A_103 = tpu.vector_load %arg7[%get3A_101, %get3A_102] {strides = array<i32>} : memref<128x128xf32, #tpu.memory_space<vmem>>, vector<16xf32>,
      %add3A_104 = arith.addf %add3A_98, %get3A_103 : vector<16xf32>
      %mul3A_105 = arith.constant 2 : i32
      %mul3A_106 = arith.muli %mul3A_105, %scan3A_55 : i32
      %add3A_107 = arith.constant 1 : i32
      %add3A_108 = arith.addi %mul3A_106, %add3A_107 : i32
      %get3A_109 = arith.index_cast %add3A_108 : i32 to index
      %get3A_110 = arith.constant 0 : index
      %get3A_111 = tpu.vector_load %arg7[%get3A_109, %get3A_110] {strides = array<i32>} : memref<128x128xf32, #tpu.memory_space<vmem>>, vector<16xf32>,
      %add3A_112 = arith.addf %add3A_104, %get3A_111 : vector<16xf32>
      %mul3A_113 = arith.constant 2 : i32
      %mul3A_114 = arith.muli %mul3A_113, %scan3A_55 : i32
      %add3A_115 = arith.constant 1 : i32
      %add3A_116 = arith.addi %mul3A_114, %add3A_115 : i32
      %get3A_117 = arith.index_cast %add3A_116 : i32 to index
      %get3A_118 = arith.constant 16 : index
      %get3A_119 = tpu.vector_load %arg7[%get3A_117, %get3A_118] {strides = array<i32>} : memref<128x128xf32, #tpu.memory_space<vmem>>, vector<16xf32>,
      %add3A_120 = arith.addf %add3A_112, %get3A_119 : vector<16xf32>
      %mul3A_121 = arith.constant 2 : i32
      %mul3A_122 = arith.muli %mul3A_121, %scan3A_55 : i32
      %add3A_123 = arith.constant 1 : i32
      %add3A_124 = arith.addi %mul3A_122, %add3A_123 : i32
      %get3A_125 = arith.index_cast %add3A_124 : i32 to index
      %get3A_126 = arith.constant 32 : index
      %get3A_127 = tpu.vector_load %arg7[%get3A_125, %get3A_126] {strides = array<i32>} : memref<128x128xf32, #tpu.memory_space<vmem>>, vector<16xf32>,
      %add3A_128 = arith.addf %add3A_120, %get3A_127 : vector<16xf32>
      %mul3A_129 = arith.constant 2 : i32
      %mul3A_130 = arith.muli %mul3A_129, %scan3A_55 : i32
      %add3A_131 = arith.constant 1 : i32
      %add3A_132 = arith.addi %mul3A_130, %add3A_131 : i32
      %get3A_133 = arith.index_cast %add3A_132 : i32 to index
      %get3A_134 = arith.constant 48 : index
      %get3A_135 = tpu.vector_load %arg7[%get3A_133, %get3A_134] {strides = array<i32>} : memref<128x128xf32, #tpu.memory_space<vmem>>, vector<16xf32>,
      %add3A_136 = arith.addf %add3A_128, %get3A_135 : vector<16xf32>
      %mul3A_137 = arith.constant 2 : i32
      %mul3A_138 = arith.muli %mul3A_137, %scan3A_55 : i32
      %add3A_139 = arith.constant 1 : i32
      %add3A_140 = arith.addi %mul3A_138, %add3A_139 : i32
      %get3A_141 = arith.index_cast %add3A_140 : i32 to index
      %get3A_142 = arith.constant 64 : index
      %get3A_143 = tpu.vector_load %arg7[%get3A_141, %get3A_142] {strides = array<i32>} : memref<128x128xf32, #tpu.memory_space<vmem>>, vector<16xf32>,
      %add3A_144 = arith.addf %add3A_136, %get3A_143 : vector<16xf32>
      %mul3A_145 = arith.constant 2 : i32
      %mul3A_146 = arith.muli %mul3A_145, %scan3A_55 : i32
      %add3A_147 = arith.constant 1 : i32
      %add3A_148 = arith.addi %mul3A_146, %add3A_147 : i32
      %get3A_149 = arith.index_cast %add3A_148 : i32 to index
      %get3A_150 = arith.constant 80 : index
      %get3A_151 = tpu.vector_load %arg7[%get3A_149, %get3A_150] {strides = array<i32>} : memref<128x128xf32, #tpu.memory_space<vmem>>, vector<16xf32>,
      %add3A_152 = arith.addf %add3A_144, %get3A_151 : vector<16xf32>
      %mul3A_153 = arith.constant 2 : i32
      %mul3A_154 = arith.muli %mul3A_153, %scan3A_55 : i32
      %add3A_155 = arith.constant 1 : i32
      %add3A_156 = arith.addi %mul3A_154, %add3A_155 : i32
      %get3A_157 = arith.index_cast %add3A_156 : i32 to index
      %get3A_158 = arith.constant 96 : index
      %get3A_159 = tpu.vector_load %arg7[%get3A_157, %get3A_158] {strides = array<i32>} : memref<128x128xf32, #tpu.memory_space<vmem>>, vector<16xf32>,
      %add3A_160 = arith.addf %add3A_152, %get3A_159 : vector<16xf32>
      %mul3A_161 = arith.constant 2 : i32
      %mul3A_162 = arith.muli %mul3A_161, %scan3A_55 : i32
      %add3A_163 = arith.constant 1 : i32
      %add3A_164 = arith.addi %mul3A_162, %add3A_163 : i32
      %get3A_165 = arith.index_cast %add3A_164 : i32 to index
      %get3A_166 = arith.constant 112 : index
      %get3A_167 = tpu.vector_load %arg7[%get3A_165, %get3A_166] {strides = array<i32>} : memref<128x128xf32, #tpu.memory_space<vmem>>, vector<16xf32>,
      %add3A_168 = arith.addf %add3A_160, %get3A_167 : vector<16xf32>
      %reduce_sum3A = arith.constant true
      %reduce_sum3A_169 = vector.broadcast %reduce_sum3A : i1 to vector<16xi1>
      %reduce_sum3A_170 = tpu.scan <sum>, %add3A_168 masked %reduce_sum3A_169 : vector<16xf32>, vector<16xi1> -> vector<16xf32>
      %reduce_sum3A_171 = vector.extract %reduce_sum3A_170[15] : f32 from vector<16xf32>
      %mul3A_172 = arith.constant 3.906250e-03 : f32
      %mul3A_173 = arith.mulf %reduce_sum3A_171, %mul3A_172 : f32
      %mul3A_174 = arith.constant 0 : i32
      %mul3A_175 = vector.broadcast %mul3A_174 : i32 to vector<16xi32>
      %mul3A_176 = arith.muli %iota3A, %mul3A_175 : vector<16xi32>
      %add3A_177 = vector.broadcast %scan3A_55 : i32 to vector<16xi32>
      %add3A_178 = arith.addi %mul3A_176, %add3A_177 : vector<16xi32>
      %broadcast_in_dim3A_179 = arith.constant 0.000000e+00 : f32
      %broadcast_in_dim3A_180 = vector.broadcast %broadcast_in_dim3A_179 : f32 to vector<16xf32>
      %add3A_181 = vector.broadcast %mul3A_173 : f32 to vector<16xf32>
      %add3A_182 = arith.addf %broadcast_in_dim3A_180, %add3A_181 : vector<16xf32>
      %eq3A_183 = arith.constant 0 : i32
      %eq3A_184 = vector.broadcast %eq3A_183 : i32 to vector<16xi32>
      %eq3A_185 = arith.cmpi eq, %iota3A, %eq3A_184 : vector<16xi32>
      tpu.vector_store_idx %arg8[%add3A_178], %add3A_182 masked %eq3A_185 : memref<64xf32, #tpu.memory_space<vmem>>[vector<16xi32>], vector<16xf32>, vector<16xi1>
      %scan3A_186 = arith.constant 0 : i32
      scf.yield %scan3A_186 : i32
    }
    %scan3A_52 = arith.constant 64 : i32
    %mul3A_53 = arith.constant 64 : i32
    %mul3A_54 = arith.muli %add3A, %mul3A_53 : i32
    "tpu.region"() ({
      %run_scoped3A = tpu.sem_alloc : memref<!tpu.dma_semaphore, #tpu.memory_space<semaphore_mem>>
      %dma_start3A = tpu.memref_slice %arg4[%mul3A_54] : memref<2048xf32, #tpu.memory_space<hbm>> -> memref<64xf32, #tpu.memory_space<hbm>>
      %dma_start3A_55 = tpu.memref_slice %arg4[%mul3A_54] : memref<2048xf32, #tpu.memory_space<hbm>> -> memref<64xf32, #tpu.memory_space<hbm>>
      tpu.enqueue_dma source(%arg8 : memref<64xf32, #tpu.memory_space<vmem>>) target(%dma_start3A_55 : memref<64xf32, #tpu.memory_space<hbm>>) target_semaphore(%run_scoped3A : memref<!tpu.dma_semaphore, #tpu.memory_space<semaphore_mem>>)
      %dma_wait3A = tpu.memref_slice %arg4[%mul3A_54] : memref<2048xf32, #tpu.memory_space<hbm>> -> memref<64xf32, #tpu.memory_space<hbm>>
      %dma_wait3A_56 = tpu.memref_slice %arg4[%mul3A_54] : memref<2048xf32, #tpu.memory_space<hbm>> -> memref<64xf32, #tpu.memory_space<hbm>>
      tpu.wait_dma2 semaphore(%run_scoped3A : memref<!tpu.dma_semaphore, #tpu.memory_space<semaphore_mem>>) src(%arg8 : memref<64xf32, #tpu.memory_space<vmem>>) dst(%dma_wait3A_56 : memref<64xf32, #tpu.memory_space<hbm>>)
      tpu.yield
    }) : () -> ()
    return
  }
}

module attributes {stable_mosaic.version = 14 : i64} {
  func.func @_score_body(%arg0: i32, %arg1: i32, %arg2: memref<1x256xf32, #tpu.memory_space<vmem>>, %arg3: memref<1x256x8192xf32, #tpu.memory_space<vmem>>, %arg4: memref<1x1x8192xf32, #tpu.memory_space<vmem>>) attributes {dimension_semantics = [#tpu.dimension_semantics<arbitrary>, #tpu.dimension_semantics<arbitrary>], iteration_bounds = array<i64: 8, 4>, scalar_prefetch = 0 : i64, scratch_operands = 0 : i64, tpu.core_type = #tpu.core_type<tc>, window_params = [{pipeline_mode = #tpu.pipeline_mode<synchronous>, transform_indices = @transform_0, window_bounds = array<i64: 1, 256>}, {transform_indices = @transform_1, window_bounds = array<i64: 1, 256, 8192>}, {transform_indices = @transform_2, window_bounds = array<i64: 1, 1, 8192>}]} {
    %get3A = arith.constant 0 : index
    %get3A_0 = arith.constant 0 : index
    %get3A_1 = vector.load %arg2[%get3A, %get3A_0] : memref<1x256xf32, #tpu.memory_space<vmem>>, vector<1x256xf32>
    %get3A_2 = arith.constant 0 : index
    %get3A_3 = arith.constant 0 : index
    %get3A_4 = arith.constant 0 : index
    %get3A_5 = vector.load %arg3[%get3A_2, %get3A_3, %get3A_4] : memref<1x256x8192xf32, #tpu.memory_space<vmem>>, vector<1x256x8192xf32>
    %get3A_6 = vector.shape_cast %get3A_5 : vector<1x256x8192xf32> to vector<256x8192xf32>
    %dot_general3A = arith.constant dense<0.000000e+00> : vector<1x8192xf32>
    %dot_general3A_7 = tpu.matmul %get3A_1, %get3A_6, %dot_general3A {dimension_numbers = #tpu.dot_dimension_numbers<[1], [0], [0], [1], [0, 0, 1, 1], [], []>, transpose_lhs_hint = false} : vector<1x256xf32>, vector<256x8192xf32>, vector<1x8192xf32> -> vector<1x8192xf32>
    %swap3A = arith.constant 0 : index
    %swap3A_8 = arith.constant 0 : index
    %swap3A_9 = arith.constant 0 : index
    %swap3A_10 = vector.load %arg4[%swap3A, %swap3A_8, %swap3A_9] : memref<1x1x8192xf32, #tpu.memory_space<vmem>>, vector<1x1x8192xf32>
    %swap3A_11 = vector.shape_cast %swap3A_10 : vector<1x1x8192xf32> to vector<1x8192xf32>
    %swap3A_12 = vector.shape_cast %dot_general3A_7 : vector<1x8192xf32> to vector<1x1x8192xf32>
    tpu.vector_store %arg4[%swap3A, %swap3A_8, %swap3A_9], %swap3A_12 {strides = array<i32>} : memref<1x1x8192xf32, #tpu.memory_space<vmem>>, vector<1x1x8192xf32>,
    return
  }
  func.func @transform_0(%arg0: i32, %arg1: i32) -> (i32, i32) {
    %c0_i32 = arith.constant 0 : i32
    %c0_i32_0 = arith.constant 0 : i32
    %c0_i32_1 = arith.constant 0 : i32
    return %c0_i32, %c0_i32_0 : i32, i32
  }
  func.func @transform_1(%arg0: i32, %arg1: i32) -> (i32, i32, i32) {
    %c0_i32 = arith.constant 0 : i32
    %c0_i32_0 = arith.constant 0 : i32
    return %arg0, %c0_i32, %arg1 : i32, i32, i32
  }
  func.func @transform_2(%arg0: i32, %arg1: i32) -> (i32, i32, i32) {
    %c0_i32 = arith.constant 0 : i32
    %c0_i32_0 = arith.constant 0 : i32
    return %arg0, %c0_i32, %arg1 : i32, i32, i32
  }
}

</mosaic_0001>

<sc_bundles>
// kernel: kernel.5.cloned.1.call-start
scs
__scs_entry_jumppad:
0x0: {  	(pc) =	sbr.rel $0x88, $3  }
0x1: {  	(tag) =	ssettag $0x0;
	lr =	simm.s32 $0x1  }
0x2: {  	[smem:$0x3F9F] =	sst lr;
	_ =	strace $0xD0000000  }
0x3: {  	_ = 	snop  }
0x4: {  	_ = 	snop  }
0x5: {  	_ = 	snop  }
0x6: {  	_ = 	snop  }
0x7: {  	_ = 	snop  }
__scs_overlays_trampoline_lowered:
0x8: {  	[smem:$0x3FAE] =	sst s0  }
0x9: {  	[smem:$0x3FAF] =	sst s1  }
0xa: {  	[smem:$0x3FB0] =	sst s2  }
0xb: {  	[smem:$0x3FB1] =	sst s3  }
0xc: {  	[smem:$0x3FB2] =	sst s4  }
0xd: {  	[smem:$0x3FB3] =	sst s5  }
0xe: {  	[smem:$0x3FB4] =	sst s6  }
0xf: {  	[smem:$0x3FB5] =	sst s7  }
0x10: {  	[smem:$0x3FB6] =	sst s8  }
0x11: {  	[smem:$0x3FB7] =	sst s9;
	s0 =	simm.s32 @!p0 $0x0  }
0x12: {  	s1 =	sld [smem:$0x3F9D];
	s0 =	simm.s32 @p0 $0x1  }
0x13: {  	[smem:$0x3FB8] =	sst s0;
	s0 =	simm.s32 @!p1 $0x0  }
0x14: {  	s2 =	sld [smem:$0x3F9C];
	s0 =	simm.s32 @p1 $0x1  }
0x15: {  	[smem:$0x3FB9] =	sst s0;
	s0 =	simm.s32 @!p2 $0x0  }
0x16: {  	s3 =	sld [smem:$0x3FDB];
	s0 =	simm.s32 @p2 $0x1  }
0x17: {  	s4 =	simm.s32 $0x1BF5;
	[smem:$0x3FBB] =	sst s0  }
0x18: {  	s0 =	sld [smem:$0x3F9E];
	_ =	swait.ge [sflag:s4], $0x0  }
0x19: {  	s7 =	sld [smem:$0x3F9F]  }
0x1a: {  	s8 =	sadd.s32 $0xFFFFE003, lr  }
0x1b: {  	s9 =	sadd.s32 $0xFFFFFEF7, lr;
	s5 =	simm.s32 $0xFFFFFFFF;
	p2 =	slt.u32 s8, $0xFFFFF086  }
0x1c: {  	p1 =	slt.u32 s9, $0xF7A;
	s5 =	simm.s32 @!p2 $0x0  }
0x1d: {  	s5 =	simm.s32 @p1 $0x1;
	p0 =	seq.s32 s7, s2  }
0x1e: {  	s7 =	smul.u32 @!p0 $0xF7A, s2;
	p2 =	seq.s32 @!p0 s5, $0x0  }
0x1f: {  	s9 =	smul.u32 $0xF7A, s1;
	s8 =	simm.s32 @!p0 $0x1BF5;
	p2 =	por !p2, p0  }
0x20: {  	[sflag:s8] =	ssyncset.s32 @!p0 $0xFFFFF086;
	s6 =	sadd.s32 @!p0 s3, s7;
	s7 =	simm.s32 @!p0 $0x108  }
0x21: {  	s3 =	sadd.s32 s3, s9;
	s6 =	sadd.s32 @!p0 $0x88, s6;
	s7 =	simm.s32 @p2 $0x1082  }
0x22: {  	[simem:s7], [sflag:s8] =	dma.local @!p0 [hbm:s6], $0xF7A  }
0x23: {  	s9 =	sor.u32 $0xD0000000, s2;
	s6 =	simm.s32 $0x108;
	_ =	swait.ge @!p0 [sflag:s8], $0x0  }
0x24: {  	s3 =	sadd.s32 $0x88, s3;
	s6 =	simm.s32 @!p1 $0x1082;
	[sflag:s4] =	ssyncset.s32 $0xFFFFF086  }
0x25: {  	[simem:s6], [sflag:s4] =	dma.local [hbm:s3], $0xF7A  }
0x26: {  	[smem:$0x3F9F] =	sst s1;
	(tag) =	ssettag s2;
	_ =	strace s9  }
0x27: {  	s1 =	sld [smem:$0x3FAF]  }
0x28: {  	s2 =	sld [smem:$0x3FB0]  }
0x29: {  	s4 =	sld [smem:$0x3FB2]  }
0x2a: {  	p0 =	seq.s32 s5, $0x0;
	s5 =	sld [smem:$0x3FB3]  }
0x2b: {  	s6 =	sld [smem:$0x3FB4]  }
0x2c: {  	s7 =	sld [smem:$0x3FB5]  }
0x2d: {  	s3 =	simm.s32 $0x108;
	s8 =	sld [smem:$0x3FB6]  }
0x2e: {  	s3 =	simm.s32 @!p0 $0x1082;
	s9 =	sld [smem:$0x3FB7]  }
0x2f: {  	lr =	sadd.s32 s0, s3;
	s0 =	sld [smem:$0x3FAE]  }
0x30: {  	s3 =	sld [smem:$0x3FB1]  }
0x31: {  	[smem:$0x3FBA] =	sst s10  }
0x32: {  	s10 =	sld [smem:$0x3FB8];
	_ =	sdelay $0x3  }
0x33: {  	p0 =	seq.s32 s10, $0x1;
	s10 =	sld [smem:$0x3FBA];
	_ =	sdelay $0x3  }
0x34: {  	[smem:$0x3FBA] =	sst s10  }
0x35: {  	s10 =	sld [smem:$0x3FB9];
	_ =	sdelay $0x3  }
0x36: {  	p1 =	seq.s32 s10, $0x1;
	s10 =	sld [smem:$0x3FBA];
	_ =	sdelay $0x3  }
0x37: {  	[smem:$0x3FBA] =	sst s10  }
0x38: {  	s10 =	sld [smem:$0x3FBB]  }
0x39: {  	_ = 	snop;
	(pc) =	sbr.ind lr, $3  }
0x3a: {  	_ = 	snop  }
0x3b: {  	_ = 	snop  }
0x3c: {  	p2 =	seq.s32 s10, $0x1;
	s10 =	sld [smem:$0x3FBA]  }
0x3d: {  	_ =	shalt  }
0x3e: {  	_ =	shalt  }
0x3f: {  	_ =	shalt  }
0x40: {  	_ =	shalt  }
0x41: {  	_ =	shalt  }
0x42: {  	_ =	shalt  }
0x43: {  	_ =	shalt  }
0x44: {  	_ =	shalt  }
0x45: {  	_ =	shalt  }
0x46: {  	_ =	shalt  }
0x47: {  	_ =	shalt  }
0x48: {  	_ =	shalt  }
0x49: {  	_ =	shalt  }
0x4a: {  	_ =	shalt  }
0x4b: {  	_ =	shalt  }
0x4c: {  	_ =	shalt  }
0x4d: {  	_ =	shalt  }
0x4e: {  	_ =	shalt  }
0x4f: {  	_ =	shalt  }
0x50: {  	_ =	shalt  }
0x51: {  	_ =	shalt  }
0x52: {  	_ =	shalt  }
0x53: {  	_ =	shalt  }
0x54: {  	_ =	shalt  }
0x55: {  	_ =	shalt  }
0x56: {  	_ =	shalt  }
0x57: {  	_ =	shalt  }
0x58: {  	_ =	shalt  }
0x59: {  	_ =	shalt  }
0x5a: {  	_ =	shalt  }
0x5b: {  	_ =	shalt  }
0x5c: {  	_ =	shalt  }
0x5d: {  	_ =	shalt  }
0x5e: {  	_ =	shalt  }
0x5f: {  	_ =	shalt  }
0x60: {  	_ =	shalt  }
0x61: {  	_ =	shalt  }
0x62: {  	_ =	shalt  }
0x63: {  	_ =	shalt  }
0x64: {  	_ =	shalt  }
0x65: {  	_ =	shalt  }
0x66: {  	_ =	shalt  }
0x67: {  	_ =	shalt  }
0x68: {  	_ =	shalt  }
0x69: {  	_ =	shalt  }
0x6a: {  	_ =	shalt  }
0x6b: {  	_ =	shalt  }
0x6c: {  	_ =	shalt  }
0x6d: {  	_ =	shalt  }
0x6e: {  	_ =	shalt  }
0x6f: {  	_ =	shalt  }
0x70: {  	_ =	shalt  }
0x71: {  	_ =	shalt  }
0x72: {  	_ =	shalt  }
0x73: {  	_ =	shalt  }
0x74: {  	_ =	shalt  }
0x75: {  	_ =	shalt  }
0x76: {  	_ =	shalt  }
0x77: {  	_ =	shalt  }
0x78: {  	_ =	shalt  }
0x79: {  	_ =	shalt  }
0x7a: {  	_ =	shalt  }
0x7b: {  	_ =	shalt  }
0x7c: {  	_ =	shalt  }
0x7d: {  	_ =	shalt  }
0x7e: {  	_ =	shalt  }
0x7f: {  	_ =	shalt  }
0x80: {  	_ =	shalt  }
0x81: {  	_ =	shalt  }
0x82: {  	_ =	shalt  }
0x83: {  	_ =	shalt  }
0x84: {  	_ =	shalt  }
0x85: {  	_ =	shalt  }
0x86: {  	_ =	shalt  }
0x87: {  	_ =	shalt  }
.Lfunc_end0:
.L_simem_size_0:
called_computation_lowered:
.L_overlay_start_0:
0x88: {  	s2 =	sld [smem:$0x3FD9]  }
0x89: {  	s3 =	sld [smem:$0x3FFE];
	_ =	sdelay $0x1  }
0x8a: {  	s1 =	srdreg.scid  }
0x8b: {  	s0 =	sand.u32 $0x1, s1  }
0x8c: {  	s17 =	sshll.u32 s0, $0xA;
	s2 =	sadd.s32 s3, s2  }
0x8d: {  	s2 =	sadd.s32 s2, s17  }
0x8e: {  	[smem:$0x3FC6] =	sst s2  }
0x8f: {  	_ = 	snop  }
0x90: {  	s2 =	sld [smem:$0x3FD0];
	(tm) =	ssettm $0x1  }
0x91: {  	s18 =	sld [smem:$0x3FFB];
	_ =	sdelay $0x3  }
0x92: {  	_ =	strace s18  }
0x93: {  	s3 =	sld [smem:$0x3FFC];
	_ =	sdelay $0x3  }
0x94: {  	_ =	strace s3  }
0x95: {  	s3 =	sld [smem:$0x3FFD];
	_ =	sdelay $0x3  }
0x96: {  	_ =	strace s3  }
0x97: {  	_ =	strace $0x8FFFFFFF  }
0x98: {  	s19 =	sld [smem:$0x3FDB];
	_ =	sdelay $0x1  }
0x99: {  	s4 =	simm.s32 $_scs_section_size  }
0x9a: {  	s5 =	simm.s32 $_size__tile_overlayer_lowered;
	s6 =	simm.s32 $_tile_overlayer_lowered  }
0x9b: {  	s22 =	simm.s32 $0x1BFF;
	s21 =	sshll.u32 s6, $0x1;
	s3 =	sadd.s32 s4, s19  }
0x9c: {  	s7 =	simm.s32 $0x0;
	s20 =	sshll.u32 s5, $0x1;
	s5 =	sadd.s32 s21, s3  }
0x9d: {  	[timem:s7], [sflag:s22] =	dma.local [hbm:s5], s20  }
0x9e: {  	_ =	swait.ge [sflag:s22], s20  }
0x9f: {  	s4 =	ssub.s32 $0x0, s20;
	[sflag:s22] =	ssyncset.done $0x0  }
0xa0: {  	[sflag:s22] =	ssyncadd.s32 s4;
	_ =	sdelay $0x1  }
0xa1: {  	s23 =	simm.s32 $0x1B8B  }
0xa2: {  	_ =	swait.ge [sflag:s23], $0x1  }
0xa3: {  	[sflag:s23] =	ssyncset.done $0x0  }
0xa4: {  	s25 =	simm.s32 $0x1B8E;
	s24 =	sld [smem:$0x3FFE];
	[sflag:s23] =	ssyncadd.s32 $0xFFFFFFFF  }
0xa5: {  	s26 =	simm.s32 $execute0_lowered;
	[smem:$0x3FD2] =	sst s25  }
0xa6: {  	s5 =	sshll.u32 s26, $0x1;
	_ =	strace $0x80000046;
	[dreg:$0x1] =	wrdreg $0xFFFFFFFF  }
0xa7: {  	s28 =	simm.s32 $_size_execute0_lowered;
	s3 =	sadd.s32 s3, s5;
	[dreg:$0x0] =	wrdreg $0x0  }
0xa8: {  	s5 =	sshll.u32 s28, $0x1;
	[dreg:$0x2] =	wrdreg s3  }
0xa9: {  	[dreg:$0x3] =	wrdreg s5  }
0xaa: {  	[dreg:$0x4] =	wrdreg $0xC0  }
0xab: {  	_ =	task [dreg:s7], $0x5FFFF  }
0xac: {  	[dreg:$0x1] =	wrdreg $0xFFFFFFFF  }
0xad: {  	[dreg:$0x0] =	wrdreg $0x60  }
0xae: {  	[dreg:$0x2] =	wrdreg s24  }
0xaf: {  	[dreg:$0x3] =	wrdreg s2  }
0xb0: {  	[dreg:$0x4] =	wrdreg $0x9  }
0xb1: {  	_ =	task.clear_ibuf [dreg:s7], $0x5FFFF;
	_ =	strace $0x90000046  }
0xb2: {  	s29 =	simm.s32 $0x9;
	_ =	strace $0x80000048  }
0xb3: {  	_ =	swait.ge [sflag:s29], $0x1  }
0xb4: {  	[sflag:s29] =	ssyncadd.s32 $0xFFFFFFFF  }
0xb5: {  	_ =	strace $0x90000048  }
0xb6: {  	_ =	sfence  }
0xb7: {  	s30 =	sld [smem:$0x0];
	_ =	sdelay $0x2  }
0xb8: {  	s31 =	sshll.u32 s1, $0xD;
	s1 =	sshrl.u32 s1, $0x2  }
0xb9: {  	s3 =	sand.u32 $0x4000, s31;
	s1 =	sadd.s32 s1, s30  }
0xba: {  	s0 =	sor.u32 s3, s0;
	s1 =	sshll.u32 s1, $0x11  }
0xbb: {  	s0 =	sor.u32 s1, s0  }
0xbc: {  	s0 =	sadd.s32 $0x8F2B, s0  }
0xbd: {  	[sflag:s0] =	ssyncadd.remote.s32 $0x1  }
0xbe: {  	_ =	sfence.sel $0xFFFF  }
0xbf: {  	[dreg:$0x0] =	wrdreg $0xFFFFFFFF;
	(pc) =	sbr.abs _section_cstart, $3  }
0xc0: {  	[dreg:$0x1] =	wrdreg $0xFFFFFFFF  }
0xc1: {  	_ =	task.clear_ibuf [dreg:s7], $0x2FFFF;
	_ =	strace $0x9FFFFFFF  }
0xc2: {  	(tm) =	ssettm $0x7FFFFFFF  }
0xc3: {  	_ =	shalt  }
tec
execute0_lowered:
.L_overlay_start_1:
0x0: {  	(tag) =	ssettag $0x1  }
0x1: {  	s1 =	stileid.u32  }
0x2: {  	s5 =	sand.u32 $0x3, s1  }
0x3: {  	p0 =	sne.s32 s5, $0x0  }
.Ltmp0:
0x4: {  	_ = 	snop;
	(pc) =	sbr.rel @!p0 .LBB2_1-.Ltmp0, $4  }
0x5: {  	s4 =	rddreg [dreg:$0x0]  }
0x6: {  	s3 =	rddreg [dreg:$0x1];
	s2 =	simm.s32 $0x0  }
0x7: {  	[smem:$0x7FF] =	sst s2  }
0x8: {  	s0 =	rddreg [dreg:$0x2];
	_ =	strace $0x80000047  }
.LBB2_34:
0x9: {  	_ =	sfence.sel $0x180000  }
0xa: {  	[bflag:$0x0] =	sbarrier.arrive $0xFFFF  }
0xb: {  	p0 =	sne.s32 s1, $0x0;
	_ =	strace $0x90000047  }
0xc: {  	s0 =	sadd.s32 @!p0 $0x100000, s0;
	[bflag:$0x2] =	sbarrier.arrive $0xFFFF  }
0xd: {  	[sflag:s0] =	ssyncadd.tile.s32 @!p0 $0x1;
	_ =	shalt  }
.LBB2_1:
0xe: {  	s5 =	srdreg.scid;
	s4 =	sadd.s32 $0xA00, s4;
	s9 =	simm.s32 $0x10000  }
0xf: {  	s10 =	simm.s32 $0x11600;
	s11 =	simm.s32 $0x11E00;
	s12 =	simm.s32 $0x10800  }
0x10: {  	s13 =	simm.s32 $0x11000;
	s14 =	simm.s32 $0x11400;
	s5 =	sand.u32 $0x1, s5  }
0x11: {  	s15 =	simm.s32 $0x11500;
	s6 =	sshll.u32 s5, $0x4;
	s5 =	ssub.s32 $0x2, s5  }
0x12: {  	v0 =	vlaneseq.u32;
	s16 =	simm.s32 $0x0;
	s6 =	sor.u32 s1, s6;
	s8 =	sshrl.u32 s5, $0x1  }
0x13: {  	v3 =	vmul.u32 $0xFFFFFFFF, v0;
	s7 =	sshll.u32 s6, $0x3;
	s6 =	sshll.u32 s6, $0x2;
	s5 =	ssub.s32 s5, s8  }
0x14: {  	s8 =	simm.s32 $0x1;
	s3 =	sadd.s32 s3, s7;
	s4 =	sadd.s32 s4, s6  }
0x15: {  	v1 =	vimm.s32 $0x0;
	v2 =	vimm.s32 $0x1;
	v3 =	vadd.s32 $0xF, v3;
	s5 =	smax.u32 s5, $0x1;
	s6 =	simm.s32 $0x80;
	s7 =	simm.s32 $0x400  }
.LBB2_2:
0x16: {  	s17 =	simm.s32 $0x0  }
0x17: {  	[tilespmem:s17], [sflag:$0x1] =	stream.strided.gather [hbm4b:s4+s6], $0x8000, s7, s6, $0x38;
	[tilespmem:$0x12680] =	vst v63  }
0x18: {  	_ =	swait.ge [sflag:s8], $0x8000  }
0x19: {  	[sflag:s8] =	ssyncset.done $0x0  }
0x1a: {  	s18 =	simm.s32 $0x40;
	s19 =	simm.s32 $0x0;
	[sflag:s8] =	ssyncadd.s32 $0xFFFF8000  }
.LBB2_3:
0x1b: {  	p0 =	sne.s32 s18, $0x1FC0;
	[tilespmem:s19+$0x10000] =	vst v1;
	s20 =	smov.u32 s18;
	s18 =	sadd.s32 $0x40, s18  }
.Ltmp1:
0x1c: {  	[tilespmem:s19+$0x10800] =	vst v1;
	(pc) =	sbr.rel @p0 .LBB2_3-.Ltmp1, $2  }
0x1d: {  	_ =	sdelay $0x2  }
0x1e: {  	s19 =	sshra.s32 s20, $0x2  }
0x1f: {  	[tilespmem:s19+$0x10000] =	vst v1  }
0x20: {  	[tilespmem:s19+$0x10800] =	vst v1  }
.LBB2_5:
0x21: {  	p0 =	sne.s32 s17, $0xFC0  }
.Ltmp2:
0x22: {  	_ = 	snop;
	(pc) =	sbr.rel @p0 .LBB2_5-.Ltmp2, $3  }
0x23: {  	_ =	sdelay $0x1  }
0x24: {  	s18 =	sshra.s32 s17, $0x2  }
0x25: {  	s17 =	sadd.s32 $0x40, s17;
	[tilespmem:s18+$0x11000] =	vst v1  }
0x26: {  	s17 =	simm.s32 $0x0  }
0x27: {  	v4 =	vld [tilespmem:s17+$0x0];
	_ =	sdelay $0x4  }
0x28: {  	v5 =	vshra.s32 v4, $0x1F  }
0x29: {  	v5 =	vor.u32 $0x80000000, v5  }
0x2a: {  	v4 =	vxor.u32 v4, v5  }
0x2b: {  	(xrf0) =	vmax.scan.msk.u32 $0xffff, v4;
	_ =	sdelay $0x5  }
0x2c: {  	v5, _, _ =	vpop (xrf0)  }
0x2d: {  	(v2sf) =	vpush v5, $0xF;
	_ =	sdelay $0xb  }
0x2e: {  	v5 =	vshrl.u32 v4, $0x15  }
0x2f: {  	v6 =	vmov s17;
	_ =	sdelay $0x1  }
0x30: {  	s18 =	simm.s32 $0x8000;
	s19 =	spop (v2sf)  }
0x31: {  	[tilespmem:s18+$0x0] =	vst v4;
	s19 =	sxor.u32 $0x80000000, s19  }
0x32: {  	[tilespmem:v5+s9+$0x0] =	vst.idx.add.s32.msk $0xffff, v2;
	v4 =	vmov s19  }
0x33: {  	s20 =	simm.s32 $0x10;
	[tilespmem:v6+s10+$0x0] =	vst.idx.msk $0x1, v4  }
0x34: {  	s21 =	simm.s32 $0x2;
	s19 =	simm.s32 $0x1;
	v4 =	vld [tilespmem:s20+$0x0]  }
.LBB2_7:
0x35: {  	p0 =	sne.s32 s21, $0x7FF;
	_ =	sdelay $0x3  }
0x36: {  	v5 =	vshra.s32 v4, $0x1F  }
0x37: {  	v5 =	vor.u32 $0x80000000, v5  }
0x38: {  	v4 =	vxor.u32 v4, v5  }
0x39: {  	(xrf0) =	vmax.scan.msk.u32 $0xffff, v4;
	_ =	sdelay $0x5  }
0x3a: {  	v5, _, _ =	vpop (xrf0)  }
0x3b: {  	(v2sf) =	vpush v5, $0xF;
	_ =	sdelay $0xb  }
0x3c: {  	v5 =	vshrl.u32 v4, $0x15  }
0x3d: {  	v6 =	vmov s19;
	s19 =	smov.u32 s21;
	_ =	sdelay $0x1  }
.Ltmp3:
0x3e: {  	s18 =	sadd.s32 $0x10, s18;
	s22 =	spop (v2sf);
	(pc) =	sbr.rel @p0 .LBB2_7-.Ltmp3, $4  }
0x3f: {  	[tilespmem:s18+$0x0] =	vst v4;
	s22 =	sxor.u32 $0x80000000, s22  }
0x40: {  	[tilespmem:v5+s9+$0x0] =	vst.idx.add.s32.msk $0xffff, v2;
	v4 =	vmov s22  }
0x41: {  	s20 =	sadd.s32 $0x10, s20;
	[tilespmem:v6+s10+$0x0] =	vst.idx.msk $0x1, v4  }
0x42: {  	s21 =	sadd.s32 $0x1, s21;
	v4 =	vld [tilespmem:s20+$0x0]  }
0x43: {  	_ =	sdelay $0x3  }
0x44: {  	v5 =	vshra.s32 v4, $0x1F  }
0x45: {  	v5 =	vor.u32 $0x80000000, v5  }
0x46: {  	v4 =	vxor.u32 v4, v5  }
0x47: {  	(xrf0) =	vmax.scan.msk.u32 $0xffff, v4;
	_ =	sdelay $0x5  }
0x48: {  	v5, _, _ =	vpop (xrf0)  }
0x49: {  	(v2sf) =	vpush v5, $0xF;
	_ =	sdelay $0xb  }
0x4a: {  	v5 =	vshrl.u32 v4, $0x15  }
0x4b: {  	v6 =	vmov s19;
	_ =	sdelay $0x1  }
0x4c: {  	s18 =	sadd.s32 $0x10, s18;
	s30 =	spop (v2sf)  }
0x4d: {  	[tilespmem:s18+$0x0] =	vst v4;
	s31 =	sxor.u32 $0x80000000, s30  }
0x4e: {  	[tilespmem:v5+s9+$0x0] =	vst.idx.add.s32.msk $0xffff, v2;
	v4 =	vmov s31  }
0x4f: {  	s19 =	simm.s32 $0x80F;
	s20 =	simm.s32 $0x107F0;
	[tilespmem:v6+s10+$0x0] =	vst.idx.msk $0x1, v4  }
.LBB2_9:
0x50: {  	v4 =	vld [tilespmem:s20+$0x0];
	_ =	sdelay $0x4  }
0x51: {  	(xrf0) =	vadd.scan.msk.s32 $0xffff, v4;
	_ =	sdelay $0x5  }
0x52: {  	v5, _, _ =	vpop (xrf0)  }
0x53: {  	(v2sf) =	vpush v5, $0xF;
	_ =	sdelay $0xe  }
0x54: {  	s18 =	smov.u32 s17;
	s31 =	spop (v2sf)  }
0x55: {  	s17 =	sadd.s32 s18, s31  }
0x56: {  	p0 =	slt.s32 s17, $0x100  }
.Ltmp4:
0x57: {  	_ = 	snop;
	(pc) =	sbr.rel @p0 .LBB2_9-.Ltmp4, $2  }
0x58: {  	_ =	sdelay $0x2  }
0x59: {  	s19 =	sadd.s32 $0xFFFFFFF0, s19;
	s20 =	sadd.s32 $0xFFFFFFF0, s20  }
0x5a: {  	v6 =	vperm.xlane v4, v3;
	_ =	sdelay $0x1  }
0x5b: {  	(xrf0) =	vadd.scan.msk.s32 $0xffff, v6;
	_ =	sdelay $0x5  }
0x5c: {  	v7, _, _ =	vpop (xrf0)  }
0x5d: {  	v4 =	vadd.s32 s18, v7  }
0x5e: {  	s31 =	simm.s32 $0x11600;
	vm0 =	vgt.s32 v4, $0xFF  }
0x5f: {  	v10 =	vld [tilespmem:s31+$0x0];
	v8 =	vmctz.xlane vm0;
	_ =	sdelay $0x1  }
0x60: {  	v5 =	vsub.s32 s19, v8  }
0x61: {  	v4 =	vshll.u32 v5, $0x15  }
0x62: {  	v9 =	vxor.u32 $0x80000000, v4  }
0x63: {  	vm15 =	vge.s32 v10, v9  }
0x64: {  	v10 =	vsel vm15, $0x1, v1  }
0x65: {  	(xrf0) =	vadd.scan.msk.s32 $0xffff, v10;
	_ =	sdelay $0x2  }
0x66: {  	s17 =	simm.s32 $0x0  }
0x67: {  	v10 =	vmov s17  }
0x68: {  	v10 =	vadd.s32 $0xFFFFFFFF, v10  }
0x69: {  	v10 =	vbroadcast v10, $0x0;
	v11, _, _ =	vpop (xrf0)  }
0x6a: {  	(v2sf) =	vpush v11, $0xF  }
0x6b: {  	v10 =	vadd.s32 v11, v10;
	_ =	sdelay $0x3  }
0x6c: {  	v12 =	vor.u32 s17, v0  }
0x6d: {  	s20 =	simm.s32 $0x11610;
	[tilespmem:v10+s11+$0x0] =	vst.idx.msk vm15, v12  }
0x6e: {  	s21 =	simm.s32 $0x20;
	s19 =	simm.s32 $0x10;
	v10 =	vld [tilespmem:s20+$0x0]  }
.LBB2_11:
0x6f: {  	p0 =	seq.s32 s21, $0x7F0;
	_ =	sdelay $0x3  }
0x70: {  	vm0 =	vge.s32 v10, v9  }
0x71: {  	v10 =	vsel vm0, $0x1, v1  }
0x72: {  	(xrf0) =	vadd.scan.msk.s32 $0xffff, v10  }
0x73: {  	s22 =	spop (v2sf)  }
0x74: {  	s17 =	sadd.s32 s17, s22  }
0x75: {  	v10 =	vmov s17  }
0x76: {  	v10 =	vadd.s32 $0xFFFFFFFF, v10  }
0x77: {  	v10 =	vbroadcast v10, $0x0  }
0x78: {  	v11, _, _ =	vpop (xrf0)  }
0x79: {  	v10 =	vadd.s32 v11, v10;
	(v2sf) =	vpush v11, $0xF;
	_ =	sdelay $0x2  }
.Ltmp5:
0x7a: {  	(pc) =	sbr.rel @!p0 .LBB2_11-.Ltmp5, $4  }
0x7b: {  	v11 =	vor.u32 s19, v0;
	s19 =	smov.u32 s21  }
0x7c: {  	[tilespmem:v10+s11+$0x0] =	vst.idx.msk vm0, v11  }
0x7d: {  	s20 =	sadd.s32 $0x10, s20  }
0x7e: {  	s21 =	sadd.s32 $0x10, s21;
	v10 =	vld [tilespmem:s20+$0x0]  }
0x7f: {  	_ =	sdelay $0x3  }
0x80: {  	vm0 =	vge.s32 v10, v9  }
0x81: {  	v9 =	vsel vm0, $0x1, v1  }
0x82: {  	(xrf0) =	vadd.scan.msk.s32 $0xffff, v9;
	_ =	sdelay $0x4  }
0x83: {  	vm15 =	veq.s32 v8, v0;
	v6 =	vsub.s32 v7, v6  }
0x84: {  	v6 =	vnsel vm15, $0x0, v6;
	v9, _, _ =	vpop (xrf0)  }
0x85: {  	(xrf0) =	vadd.scan.msk.s32 $0xffff, v6;
	(v2sf) =	vpush v9, $0xF;
	_ =	sdelay $0x5  }
0x86: {  	v6, _, _ =	vpop (xrf0)  }
0x87: {  	s20 =	spop (v2sf);
	(v2sf) =	vpush v6, $0xF;
	_ =	sdelay $0x4  }
0x88: {  	s17 =	sadd.s32 s17, s20  }
0x89: {  	v62 =	vmov s17  }
0x8a: {  	v10 =	vadd.s32 $0xFFFFFFFF, v62  }
0x8b: {  	v10 =	vbroadcast v10, $0x0;
	s30 =	spop (v2sf)  }
0x8c: {  	s31 =	sadd.s32 s17, s30  }
0x8d: {  	v9 =	vadd.s32 v9, v10;
	p0 =	slt.s32 s31, $0x1  }
.Ltmp6:
0x8e: {  	_ = 	snop;
	(pc) =	sbr.rel @p0 .LBB2_16-.Ltmp6, $3  }
0x8f: {  	_ =	sdelay $0x1  }
0x90: {  	v63 =	vor.u32 s19, v0  }
0x91: {  	[tilespmem:v9+s11+$0x0] =	vst.idx.msk vm0, v63;
	s17 =	sadd.s32 s17, s30;
	s19 =	spop (v2sf)  }
0x92: {  	p1 =	sne.s32 s17, $0x1  }
.Ltmp7:
0x93: {  	_ = 	snop;
	(pc) =	sbr.rel @!p1 .LBB2_15-.Ltmp7, $3  }
0x94: {  	_ =	sdelay $0x1  }
0x95: {  	s20 =	simm.s32 $0x11E00  }
0x96: {  	s21 =	sadd.s32 $0xFFFFFFFF, s17;
	v6 =	vld [tilespmem:s20+$0x0]  }
.LBB2_14:
0x97: {  	p1 =	sne.s32 s21, $0x1;
	_ =	sdelay $0x3  }
0x98: {  	(v2sf) =	vpush v6, $0x0;
	_ =	sdelay $0xe  }
0x99: {  	s22 =	spop (v2sf)  }
0x9a: {  	s22 =	sshll.u32 s22, $0x6  }
0x9b: {  	s22 =	sshra.s32 s22, $0x2  }
0x9c: {  	v6 =	vld [tilespmem:s22+$0x8000];
	_ =	sdelay $0x4  }
0x9d: {  	v7 =	vshrl.u32 v6, $0x15  }
0x9e: {  	v6 =	vshrl.u32 v6, $0xA;
	vm0 =	veq.s32 v7, v5  }
0x9f: {  	v6 =	vand.u32 $0x7FF, v6;
	_ =	sdelay $0x1  }
.Ltmp8:
0xa0: {  	(pc) =	sbr.rel @p1 .LBB2_14-.Ltmp8, $3  }
0xa1: {  	_ =	sdelay $0x1  }
0xa2: {  	s20 =	sadd.s32 $0x1, s20;
	[tilespmem:v6+s12+$0x0] =	vst.idx.add.s32.msk vm0, v2  }
0xa3: {  	s21 =	sadd.s32 $0xFFFFFFFF, s21;
	v6 =	vld [tilespmem:s20+$0x0]  }
.LBB2_15:
0xa4: {  	_ =	sdelay $0x3  }
0xa5: {  	(v2sf) =	vpush v6, $0x0;
	_ =	sdelay $0xe  }
0xa6: {  	s20 =	spop (v2sf)  }
0xa7: {  	s20 =	sshll.u32 s20, $0x6  }
0xa8: {  	s20 =	sshra.s32 s20, $0x2  }
0xa9: {  	v6 =	vld [tilespmem:s20+$0x8000];
	_ =	sdelay $0x4  }
0xaa: {  	v7 =	vshrl.u32 v6, $0x15  }
0xab: {  	v6 =	vshrl.u32 v6, $0xA;
	vm0 =	veq.s32 v7, v5  }
0xac: {  	v6 =	vand.u32 $0x7FF, v6;
	_ =	sdelay $0x4  }
0xad: {  	[tilespmem:v6+s12+$0x0] =	vst.idx.add.s32.msk vm0, v2  }
.LBB2_16:
0xae: {  	s18 =	sadd.s32 s19, s18;
	s22 =	simm.s32 $0x0  }
0xaf: {  	s21 =	simm.s32 $0x80F;
	s20 =	simm.s32 $0x10FF0;
	s18 =	ssub.s32 $0x100, s18  }
.LBB2_17:
0xb0: {  	v6 =	vld [tilespmem:s20+$0x0];
	_ =	sdelay $0x4  }
0xb1: {  	(xrf0) =	vadd.scan.msk.s32 $0xffff, v6;
	_ =	sdelay $0x5  }
0xb2: {  	v7, _, _ =	vpop (xrf0)  }
0xb3: {  	(v2sf) =	vpush v7, $0xF;
	_ =	sdelay $0xe  }
0xb4: {  	s19 =	smov.u32 s22;
	s31 =	spop (v2sf)  }
0xb5: {  	s22 =	sadd.s32 s19, s31  }
0xb6: {  	p1 =	slt.s32 s22, s18  }
.Ltmp9:
0xb7: {  	_ = 	snop;
	(pc) =	sbr.rel @p1 .LBB2_17-.Ltmp9, $2  }
0xb8: {  	_ =	sdelay $0x2  }
0xb9: {  	s21 =	sadd.s32 $0xFFFFFFF0, s21;
	s20 =	sadd.s32 $0xFFFFFFF0, s20  }
0xba: {  	v6 =	vperm.xlane v6, v3;
	_ =	sdelay $0x1  }
0xbb: {  	(xrf0) =	vadd.scan.msk.s32 $0xffff, v6;
	_ =	sdelay $0x5  }
0xbc: {  	v7, _, _ =	vpop (xrf0)  }
0xbd: {  	v8 =	vadd.s32 s19, v7  }
0xbe: {  	vm0 =	vge.s32 v8, s18  }
0xbf: {  	v8 =	vmctz.xlane vm0;
	_ =	sdelay $0x1  }
0xc0: {  	v6 =	vsub.s32 v7, v6;
	vm0 =	veq.s32 v8, v0  }
0xc1: {  	v6 =	vnsel vm0, $0x0, v6  }
0xc2: {  	(xrf0) =	vadd.scan.msk.s32 $0xffff, v6;
	_ =	sdelay $0x5  }
0xc3: {  	v6, _, _ =	vpop (xrf0)  }
0xc4: {  	(v2sf) =	vpush v6, $0xF;
	_ =	sdelay $0xa  }
.Ltmp10:
0xc5: {  	_ = 	snop;
	(pc) =	sbr.rel @p0 .LBB2_22-.Ltmp10, $2  }
0xc6: {  	_ =	sdelay $0x2  }
0xc7: {  	v6 =	vsub.s32 s21, v8;
	s20 =	spop (v2sf)  }
0xc8: {  	p1 =	sne.s32 s17, $0x1  }
.Ltmp11:
0xc9: {  	_ = 	snop;
	(pc) =	sbr.rel @!p1 .LBB2_21-.Ltmp11, $3  }
0xca: {  	_ =	sdelay $0x1  }
0xcb: {  	v5 =	vshll.u32 v5, $0xB;
	s21 =	simm.s32 $0x11E00  }
0xcc: {  	s22 =	sadd.s32 $0xFFFFFFFF, s17;
	v5 =	vor.u32 v5, v6;
	v7 =	vld [tilespmem:s21+$0x0]  }
.LBB2_20:
0xcd: {  	p1 =	sne.s32 s22, $0x1;
	_ =	sdelay $0x3  }
0xce: {  	(v2sf) =	vpush v7, $0x0;
	_ =	sdelay $0xe  }
0xcf: {  	s23 =	spop (v2sf)  }
0xd0: {  	s23 =	sshll.u32 s23, $0x6  }
0xd1: {  	s23 =	sshra.s32 s23, $0x2  }
0xd2: {  	v7 =	vld [tilespmem:s23+$0x8000];
	_ =	sdelay $0x4  }
0xd3: {  	v8 =	vshrl.u32 v7, $0xA  }
0xd4: {  	vm0 =	veq.s32 v8, v5  }
0xd5: {  	v7 =	vand.u32 $0x3FF, v7;
	_ =	sdelay $0x1  }
.Ltmp12:
0xd6: {  	(pc) =	sbr.rel @p1 .LBB2_20-.Ltmp12, $3  }
0xd7: {  	_ =	sdelay $0x1  }
0xd8: {  	s21 =	sadd.s32 $0x1, s21;
	[tilespmem:v7+s13+$0x0] =	vst.idx.add.s32.msk vm0, v2  }
0xd9: {  	s22 =	sadd.s32 $0xFFFFFFFF, s22;
	v7 =	vld [tilespmem:s21+$0x0]  }
.LBB2_21:
0xda: {  	_ =	sdelay $0x3  }
0xdb: {  	(v2sf) =	vpush v7, $0x0;
	_ =	sdelay $0xe  }
0xdc: {  	s21 =	spop (v2sf)  }
0xdd: {  	s21 =	sshll.u32 s21, $0x6  }
0xde: {  	s21 =	sshra.s32 s21, $0x2  }
0xdf: {  	v7 =	vld [tilespmem:s21+$0x8000];
	_ =	sdelay $0x4  }
0xe0: {  	v8 =	vshrl.u32 v7, $0xA  }
0xe1: {  	vm0 =	veq.s32 v8, v5  }
0xe2: {  	v5 =	vand.u32 $0x3FF, v7;
	_ =	sdelay $0x4  }
0xe3: {  	[tilespmem:v5+s13+$0x0] =	vst.idx.add.s32.msk vm0, v2  }
.LBB2_22:
0xe4: {  	s19 =	sadd.s32 s20, s19;
	s22 =	simm.s32 $0x0  }
0xe5: {  	s21 =	simm.s32 $0x113F0;
	s18 =	ssub.s32 s18, s19;
	s19 =	simm.s32 $0x40F  }
.LBB2_23:
0xe6: {  	v5 =	vld [tilespmem:s21+$0x0];
	_ =	sdelay $0x4  }
0xe7: {  	(xrf0) =	vadd.scan.msk.s32 $0xffff, v5;
	_ =	sdelay $0x5  }
0xe8: {  	v7, _, _ =	vpop (xrf0)  }
0xe9: {  	(v2sf) =	vpush v7, $0xF;
	_ =	sdelay $0xe  }
0xea: {  	s20 =	smov.u32 s22;
	s31 =	spop (v2sf)  }
0xeb: {  	s22 =	sadd.s32 s20, s31  }
0xec: {  	p1 =	slt.s32 s22, s18  }
.Ltmp13:
0xed: {  	_ = 	snop;
	(pc) =	sbr.rel @p1 .LBB2_23-.Ltmp13, $2  }
0xee: {  	_ =	sdelay $0x2  }
0xef: {  	s19 =	sadd.s32 $0xFFFFFFF0, s19;
	s21 =	sadd.s32 $0xFFFFFFF0, s21  }
0xf0: {  	v5 =	vperm.xlane v5, v3;
	_ =	sdelay $0x1  }
0xf1: {  	(xrf0) =	vadd.scan.msk.s32 $0xffff, v5;
	_ =	sdelay $0x5  }
0xf2: {  	v8, _, _ =	vpop (xrf0)  }
0xf3: {  	v7 =	vadd.s32 s20, v8  }
0xf4: {  	vm0 =	vge.s32 v7, s18  }
0xf5: {  	v7 =	vmctz.xlane vm0;
	_ =	sdelay $0x1  }
0xf6: {  	v5 =	vsub.s32 v8, v5;
	vm0 =	veq.s32 v7, v0  }
0xf7: {  	v5 =	vnsel vm0, $0x0, v5  }
0xf8: {  	(xrf0) =	vadd.scan.msk.s32 $0xffff, v5;
	_ =	sdelay $0x5  }
0xf9: {  	v5, _, _ =	vpop (xrf0)  }
0xfa: {  	(v2sf) =	vpush v5, $0xF;
	_ =	sdelay $0xd  }
.Ltmp14:
0xfb: {  	_ = 	snop;
	(pc) =	sbr.rel @p0 .LBB2_31-.Ltmp14, $4  }
0xfc: {  	s21 =	spop (v2sf)  }
0xfd: {  	s30 =	sadd.s32 s21, s20  }
0xfe: {  	s31 =	ssub.s32 s18, s30  }
0xff: {  	s20 =	simm.s32 $0x0;
	s18 =	simm.s32 $0x0;
	v5 =	vmov s31  }
0x100: {  	v7 =	vsub.s32 s19, v7;
	v6 =	vshll.u32 v6, $0xA  }
0x101: {  	s20 =	simm.s32 $0x11E00;
	v6 =	vor.u32 v7, v6  }
0x102: {  	p1 =	seq.s32 s17, $0x1;
	v4 =	vor.u32 v4, v6;
	v6 =	vld [tilespmem:s20+$0x0]  }
.Ltmp15:
0x103: {  	_ = 	snop;
	(pc) =	sbr.rel @p1 .LBB2_26-.Ltmp15, $4  }
0x104: {  	_ = 	snop  }
0x105: {  	s19 =	simm.s32 $0x0  }
0x106: {  	v7 =	vmov s19  }
0x107: {  	p0 =	por $0x0, $0x0;
	s20 =	sadd.s32 $0xFFFFFFFF, s17;
	(v2sf) =	vpush v6, $0x0;
	v6 =	vadd.s32 $0xFFFFFFFF, v7  }
0x108: {  	_ =	sdelay $0xd  }
0x109: {  	s17 =	spop (v2sf)  }
0x10a: {  	s17 =	sshll.u32 s17, $0x4  }
0x10b: {  	v7 =	vld [tilespmem:s17+$0x8000];
	_ =	sdelay $0x4  }
0x10c: {  	vm0 =	veq.s32 v7, v4  }
0x10d: {  	v8 =	vsel vm0, $0x1, v1  }
0x10e: {  	(xrf0) =	vadd.scan.msk.s32 $0xffff, v8;
	_ =	sdelay $0x4  }
0x10f: {  	vm1 =	vgt.u32 v7, v4  }
0x110: {  	v8 =	vsel vm1, $0x1, v1;
	v7, _, _ =	vpop (xrf0)  }
0x111: {  	(xrf0) =	vadd.scan.msk.s32 $0xffff, v8;
	v7 =	vadd.s32 s19, v7  }
0x112: {  	vm2 =	vle.s32 v7, v5  }
0x113: {  	vm0 =	vmand vm0, vm2  }
0x114: {  	v8 =	vsel vm0, $0x1, v1;
	_ =	sdelay $0x2  }
0x115: {  	(xrf0) =	vadd.scan.msk.s32 $0xffff, v8;
	v8, _, _ =	vpop (xrf0)  }
0x116: {  	(v2sf) =	vpush v8, $0xF  }
0x117: {  	v6 =	vbroadcast v6, $0x0;
	_ =	sdelay $0x1  }
0x118: {  	v6 =	vadd.s32 v8, v6  }
0x119: {  	v7 =	vadd.s32 $0xFFFFFFFF, v7;
	_ =	sdelay $0x2  }
0x11a: {  	v8 =	vor.u32 s17, v0  }
0x11b: {  	[tilespmem:v6+s14+$0x0] =	vst.idx.msk vm1, v8  }
0x11c: {  	s21 =	simm.s32 $0x11E01;
	[tilespmem:v7+s15+$0x0] =	vst.idx.msk vm0, v8  }
0x11d: {  	v6 =	vld [tilespmem:s21+$0x0]  }
0x11e: {  	v9, _, _ =	vpop (xrf0)  }
0x11f: {  	(v2sf) =	vpush v9, $0xF;
	_ =	sdelay $0x2  }
0x120: {  	s31 =	spop (v2sf);
	(v2sf) =	vpush v6, $0x0;
	_ =	sdelay $0x6  }
0x121: {  	p1 =	seq.s32 s20, $0x1  }
.Ltmp16:
0x122: {  	_ = 	snop;
	(pc) =	sbr.rel @p1 .LBB2_28-.Ltmp16, $4  }
0x123: {  	_ = 	snop  }
0x124: {  	s17 =	sadd.s32 $0x0, s31  }
0x125: {  	s22 =	sadd.s32 $0xFFFFFFFF, s20;
	v7 =	vmov s17  }
0x126: {  	p0 =	por $0x1, $0x1;
	s20 =	simm.s32 $0x0;
	v6 =	vadd.s32 $0xFFFFFFFF, v7;
	s23 =	spop (v2sf)  }
.LBB2_29:
0x127: {  	p1 =	seq.s32 s22, $0x1;
	s22 =	sadd.s32 $0xFFFFFFFF, s22;
	s20 =	sadd.s32 s20, s23  }
0x128: {  	_ = 	snop  }
0x129: {  	s23 =	spop (v2sf)  }
0x12a: {  	s23 =	sshll.u32 s23, $0x4  }
0x12b: {  	v7 =	vld [tilespmem:s23+$0x8000];
	_ =	sdelay $0x4  }
0x12c: {  	vm0 =	vgt.u32 v7, v4;
	vm1 =	veq.s32 v7, v4  }
0x12d: {  	v7 =	vsel vm0, $0x1, v1;
	v8 =	vsel vm1, $0x1, v1  }
0x12e: {  	(xrf0) =	vadd.scan.msk.s32 $0xffff, v8  }
0x12f: {  	(xrf0) =	vadd.scan.msk.s32 $0xffff, v7;
	_ =	sdelay $0x4  }
0x130: {  	v6 =	vbroadcast v6, $0x0;
	v7, _, _ =	vpop (xrf0)  }
0x131: {  	v7 =	vadd.s32 s20, v7;
	v8, _, _ =	vpop (xrf0)  }
0x132: {  	v6 =	vadd.s32 v8, v6;
	vm2 =	vle.s32 v7, v5;
	(v2sf) =	vpush v8, $0xF  }
0x133: {  	vm1 =	vmand vm1, vm2  }
0x134: {  	v7 =	vadd.s32 $0xFFFFFFFF, v7;
	v8 =	vsel vm1, $0x1, v1  }
0x135: {  	(xrf0) =	vadd.scan.msk.s32 $0xffff, v8  }
0x136: {  	v8 =	vor.u32 s23, v0  }
0x137: {  	[tilespmem:v6+s14+$0x0] =	vst.idx.msk vm0, v8;
	_ =	sdelay $0x1  }
0x138: {  	s21 =	sadd.s32 $0x1, s21;
	[tilespmem:v7+s15+$0x0] =	vst.idx.msk vm1, v8  }
0x139: {  	v6 =	vld [tilespmem:s21+$0x0]  }
0x13a: {  	v7, _, _ =	vpop (xrf0)  }
0x13b: {  	(v2sf) =	vpush v7, $0xF;
	_ =	sdelay $0x2  }
0x13c: {  	(v2sf) =	vpush v6, $0x0;
	_ =	sdelay $0x1  }
0x13d: {  	s23 =	spop (v2sf)  }
0x13e: {  	s17 =	sadd.s32 s17, s23  }
0x13f: {  	v6 =	vmov s17  }
0x140: {  	v6 =	vadd.s32 $0xFFFFFFFF, v6;
	_ =	sdelay $0x2  }
.Ltmp17:
0x141: {  	(pc) =	sbr.rel @!p1 .LBB2_29-.Ltmp17, $2  }
0x142: {  	_ =	sdelay $0x2  }
0x143: {  	s23 =	spop (v2sf)  }
.LBB2_30:
0x144: {  	_ =	sdelay $0x1  }
0x145: {  	s21 =	spop (v2sf)  }
0x146: {  	s21 =	sshll.u32 s21, $0x4  }
0x147: {  	v7 =	vld [tilespmem:s21+$0x8000];
	_ =	sdelay $0x4  }
0x148: {  	vm0 =	veq.s32 v7, v4  }
0x149: {  	v8 =	vsel vm0, $0x1, v1  }
0x14a: {  	(xrf0) =	vadd.scan.msk.s32 $0xffff, v8;
	_ =	sdelay $0x4  }
0x14b: {  	s20 =	sadd.s32 @p0 s20, s23  }
0x14c: {  	s19 =	smov.u32 @p0 s20;
	v8, _, _ =	vpop (xrf0)  }
0x14d: {  	v8 =	vadd.s32 s19, v8  }
0x14e: {  	vm1 =	vgt.u32 v7, v4;
	vm2 =	vle.s32 v8, v5  }
0x14f: {  	v4 =	vsel vm1, $0x1, v1;
	vm0 =	vmand vm0, vm2  }
0x150: {  	(xrf0) =	vadd.scan.msk.s32 $0xffff, v4;
	v4 =	vsel vm0, $0x1, v1  }
0x151: {  	(xrf0) =	vadd.scan.msk.s32 $0xffff, v4;
	_ =	sdelay $0x4  }
0x152: {  	v4, _, _ =	vpop (xrf0)  }
0x153: {  	(v2sf) =	vpush v4, $0xF;
	v7, _, _ =	vpop (xrf0)  }
0x154: {  	(v2sf) =	vpush v7, $0xF;
	_ =	sdelay $0x6  }
0x155: {  	v6 =	vbroadcast v6, $0x0;
	_ =	sdelay $0x1  }
0x156: {  	v4 =	vadd.s32 v4, v6  }
0x157: {  	v6 =	vadd.s32 $0xFFFFFFFF, v8;
	_ =	sdelay $0x2  }
0x158: {  	v7 =	vor.u32 s21, v0  }
0x159: {  	[tilespmem:v4+s14+$0x0] =	vst.idx.msk vm1, v7;
	s30 =	spop (v2sf)  }
0x15a: {  	[tilespmem:v6+s15+$0x0] =	vst.idx.msk vm0, v7;
	s20 =	sadd.s32 s17, s30;
	s31 =	spop (v2sf)  }
.LBB2_31:
0x15b: {  	v6 =	vor.u32 s18, v0  }
0x15c: {  	v4 =	vmov s20;
	s17 =	simm.s32 $0x11500;
	vm0 =	vlt.s32 v6, v5  }
0x15d: {  	s18 =	simm.s32 $0x10;
	v6 =	vadd.s32 v4, v6;
	v7 =	vld [tilespmem:s17+$0x0]  }
.LBB2_32:
0x15e: {  	p0 =	sne.s32 s18, $0xF0  }
.Ltmp18:
0x15f: {  	_ = 	snop;
	(pc) =	sbr.rel @p0 .LBB2_32-.Ltmp18, $4  }
0x160: {  	_ = 	snop  }
0x161: {  	v8 =	vor.u32 s18, v0;
	s18 =	sadd.s32 $0x10, s18  }
0x162: {  	s17 =	sadd.s32 $0x10, s17;
	[tilespmem:v6+s14+$0x0] =	vst.idx.msk vm0, v7;
	vm0 =	vlt.s32 v8, v5  }
0x163: {  	v6 =	vadd.s32 v4, v8;
	v7 =	vld [tilespmem:s17+$0x0]  }
0x164: {  	_ =	sdelay $0x3  }
0x165: {  	s16 =	sadd.s32 $0x1, s16  }
0x166: {  	p0 =	sne.s32 s16, s5;
	[tilespmem:v6+s14+$0x0] =	vst.idx.msk vm0, v7  }
0x167: {  	[hbm4b:s3+s2] =	stream.linear.scatter [tilespmem:s14], [sflag:$0x1], $0x100, $0x38;
	[tilespmem:$0x12680] =	vst v63  }
.Ltmp19:
0x168: {  	_ = 	snop;
	(pc) =	sbr.rel @p0 .LBB2_2-.Ltmp19, $4  }
.Ltmp20:
0x169: {  	_ = 	snop;
	(pc) =	sbr.rel @!p0 .LBB2_34-.Ltmp20, $4  }
0x16a: {  	_ =	swait.ge [sflag:s8], $0x100  }
0x16b: {  	[sflag:s8] =	ssyncset.done $0x0  }
0x16c: {  	[sflag:s8] =	ssyncadd.s32 $0xFFFFFF00  }
0x16d: {  	_ = 	snop  }
.LBB2_26:
.Ltmp21:
0x16e: {  	(pc) =	sbr.rel .LBB2_30-.Ltmp21, $2  }
0x16f: {  	_ =	sdelay $0x2  }
0x170: {  	s20 =	simm.s32 $0x0;
	s17 =	simm.s32 $0x0  }
.LBB2_28:
.Ltmp22:
0x171: {  	(pc) =	sbr.rel .LBB2_30-.Ltmp22, $2  }
0x172: {  	_ =	sdelay $0x2  }
0x173: {  	s20 =	simm.s32 $0x0  }
.Lfunc_end2:
_tile_overlayer_lowered:
.L_overlay_start_2:
0x174: {  	(tag) =	ssettag $0x2  }
0x175: {  	s0 =	rddreg [dreg:$0x0];
	s2 =	stileid.u32  }
0x176: {  	s1 =	rddreg [dreg:$0x1];
	p0 =	sne.s32 s2, $0x0  }
0x177: {  	s3 =	rddreg [dreg:$0x2];
	[bflag:$0x3] =	sbarrier.arrive $0xFFFF;
	s2 =	simm.s32 @!p0 $0x1C01  }
0x178: {  	[timem:s3], [sflag:s2] =	dma.local @!p0 [hbm:s0], s1  }
0x179: {  	s0 =	simm.s32 @!p0 $0x1  }
0x17a: {  	_ =	swait.ge @!p0 [sflag:s0], s1  }
0x17b: {  	s1 =	ssub.s32 @!p0 $0x0, s1;
	[sflag:s0] =	ssyncset.done @!p0 $0x0  }
0x17c: {  	[sflag:s0] =	ssyncadd.s32 @!p0 s1  }
0x17d: {  	[bflag:$0x3] =	sbarrier.arrive $0xFFFF  }
0x17e: {  	_ =	shalt  }

// kernel: kernel.8.cloned.1.call-start
scs
__scs_entry_jumppad:
0x0: {  	(pc) =	sbr.rel $0x88, $3  }
0x1: {  	(tag) =	ssettag $0x0;
	lr =	simm.s32 $0x1  }
0x2: {  	[smem:$0x3F9F] =	sst lr;
	_ =	strace $0xD0000000  }
0x3: {  	_ = 	snop  }
0x4: {  	_ = 	snop  }
0x5: {  	_ = 	snop  }
0x6: {  	_ = 	snop  }
0x7: {  	_ = 	snop  }
__scs_overlays_trampoline_lowered:
0x8: {  	[smem:$0x3FAE] =	sst s0  }
0x9: {  	[smem:$0x3FAF] =	sst s1  }
0xa: {  	[smem:$0x3FB0] =	sst s2  }
0xb: {  	[smem:$0x3FB1] =	sst s3  }
0xc: {  	[smem:$0x3FB2] =	sst s4  }
0xd: {  	[smem:$0x3FB3] =	sst s5  }
0xe: {  	[smem:$0x3FB4] =	sst s6  }
0xf: {  	[smem:$0x3FB5] =	sst s7  }
0x10: {  	[smem:$0x3FB6] =	sst s8  }
0x11: {  	[smem:$0x3FB7] =	sst s9;
	s0 =	simm.s32 @!p0 $0x0  }
0x12: {  	s1 =	sld [smem:$0x3F9D];
	s0 =	simm.s32 @p0 $0x1  }
0x13: {  	[smem:$0x3FB8] =	sst s0;
	s0 =	simm.s32 @!p1 $0x0  }
0x14: {  	s2 =	sld [smem:$0x3F9C];
	s0 =	simm.s32 @p1 $0x1  }
0x15: {  	[smem:$0x3FB9] =	sst s0;
	s0 =	simm.s32 @!p2 $0x0  }
0x16: {  	s3 =	sld [smem:$0x3FDB];
	s0 =	simm.s32 @p2 $0x1  }
0x17: {  	s4 =	simm.s32 $0x1BF5;
	[smem:$0x3FBB] =	sst s0  }
0x18: {  	s0 =	sld [smem:$0x3F9E];
	_ =	swait.ge [sflag:s4], $0x0  }
0x19: {  	s7 =	sld [smem:$0x3F9F]  }
0x1a: {  	s8 =	sadd.s32 $0xFFFFE003, lr  }
0x1b: {  	s9 =	sadd.s32 $0xFFFFFEF7, lr;
	s5 =	simm.s32 $0xFFFFFFFF;
	p2 =	slt.u32 s8, $0xFFFFF086  }
0x1c: {  	p1 =	slt.u32 s9, $0xF7A;
	s5 =	simm.s32 @!p2 $0x0  }
0x1d: {  	s5 =	simm.s32 @p1 $0x1;
	p0 =	seq.s32 s7, s2  }
0x1e: {  	s7 =	smul.u32 @!p0 $0xF7A, s2;
	p2 =	seq.s32 @!p0 s5, $0x0  }
0x1f: {  	s9 =	smul.u32 $0xF7A, s1;
	s8 =	simm.s32 @!p0 $0x1BF5;
	p2 =	por !p2, p0  }
0x20: {  	[sflag:s8] =	ssyncset.s32 @!p0 $0xFFFFF086;
	s6 =	sadd.s32 @!p0 s3, s7;
	s7 =	simm.s32 @!p0 $0x108  }
0x21: {  	s3 =	sadd.s32 s3, s9;
	s6 =	sadd.s32 @!p0 $0x88, s6;
	s7 =	simm.s32 @p2 $0x1082  }
0x22: {  	[simem:s7], [sflag:s8] =	dma.local @!p0 [hbm:s6], $0xF7A  }
0x23: {  	s9 =	sor.u32 $0xD0000000, s2;
	s6 =	simm.s32 $0x108;
	_ =	swait.ge @!p0 [sflag:s8], $0x0  }
0x24: {  	s3 =	sadd.s32 $0x88, s3;
	s6 =	simm.s32 @!p1 $0x1082;
	[sflag:s4] =	ssyncset.s32 $0xFFFFF086  }
0x25: {  	[simem:s6], [sflag:s4] =	dma.local [hbm:s3], $0xF7A  }
0x26: {  	[smem:$0x3F9F] =	sst s1;
	(tag) =	ssettag s2;
	_ =	strace s9  }
0x27: {  	s1 =	sld [smem:$0x3FAF]  }
0x28: {  	s2 =	sld [smem:$0x3FB0]  }
0x29: {  	s4 =	sld [smem:$0x3FB2]  }
0x2a: {  	p0 =	seq.s32 s5, $0x0;
	s5 =	sld [smem:$0x3FB3]  }
0x2b: {  	s6 =	sld [smem:$0x3FB4]  }
0x2c: {  	s7 =	sld [smem:$0x3FB5]  }
0x2d: {  	s3 =	simm.s32 $0x108;
	s8 =	sld [smem:$0x3FB6]  }
0x2e: {  	s3 =	simm.s32 @!p0 $0x1082;
	s9 =	sld [smem:$0x3FB7]  }
0x2f: {  	lr =	sadd.s32 s0, s3;
	s0 =	sld [smem:$0x3FAE]  }
0x30: {  	s3 =	sld [smem:$0x3FB1]  }
0x31: {  	[smem:$0x3FBA] =	sst s10  }
0x32: {  	s10 =	sld [smem:$0x3FB8];
	_ =	sdelay $0x3  }
0x33: {  	p0 =	seq.s32 s10, $0x1;
	s10 =	sld [smem:$0x3FBA];
	_ =	sdelay $0x3  }
0x34: {  	[smem:$0x3FBA] =	sst s10  }
0x35: {  	s10 =	sld [smem:$0x3FB9];
	_ =	sdelay $0x3  }
0x36: {  	p1 =	seq.s32 s10, $0x1;
	s10 =	sld [smem:$0x3FBA];
	_ =	sdelay $0x3  }
0x37: {  	[smem:$0x3FBA] =	sst s10  }
0x38: {  	s10 =	sld [smem:$0x3FBB]  }
0x39: {  	_ = 	snop;
	(pc) =	sbr.ind lr, $3  }
0x3a: {  	_ = 	snop  }
0x3b: {  	_ = 	snop  }
0x3c: {  	p2 =	seq.s32 s10, $0x1;
	s10 =	sld [smem:$0x3FBA]  }
0x3d: {  	_ =	shalt  }
0x3e: {  	_ =	shalt  }
0x3f: {  	_ =	shalt  }
0x40: {  	_ =	shalt  }
0x41: {  	_ =	shalt  }
0x42: {  	_ =	shalt  }
0x43: {  	_ =	shalt  }
0x44: {  	_ =	shalt  }
0x45: {  	_ =	shalt  }
0x46: {  	_ =	shalt  }
0x47: {  	_ =	shalt  }
0x48: {  	_ =	shalt  }
0x49: {  	_ =	shalt  }
0x4a: {  	_ =	shalt  }
0x4b: {  	_ =	shalt  }
0x4c: {  	_ =	shalt  }
0x4d: {  	_ =	shalt  }
0x4e: {  	_ =	shalt  }
0x4f: {  	_ =	shalt  }
0x50: {  	_ =	shalt  }
0x51: {  	_ =	shalt  }
0x52: {  	_ =	shalt  }
0x53: {  	_ =	shalt  }
0x54: {  	_ =	shalt  }
0x55: {  	_ =	shalt  }
0x56: {  	_ =	shalt  }
0x57: {  	_ =	shalt  }
0x58: {  	_ =	shalt  }
0x59: {  	_ =	shalt  }
0x5a: {  	_ =	shalt  }
0x5b: {  	_ =	shalt  }
0x5c: {  	_ =	shalt  }
0x5d: {  	_ =	shalt  }
0x5e: {  	_ =	shalt  }
0x5f: {  	_ =	shalt  }
0x60: {  	_ =	shalt  }
0x61: {  	_ =	shalt  }
0x62: {  	_ =	shalt  }
0x63: {  	_ =	shalt  }
0x64: {  	_ =	shalt  }
0x65: {  	_ =	shalt  }
0x66: {  	_ =	shalt  }
0x67: {  	_ =	shalt  }
0x68: {  	_ =	shalt  }
0x69: {  	_ =	shalt  }
0x6a: {  	_ =	shalt  }
0x6b: {  	_ =	shalt  }
0x6c: {  	_ =	shalt  }
0x6d: {  	_ =	shalt  }
0x6e: {  	_ =	shalt  }
0x6f: {  	_ =	shalt  }
0x70: {  	_ =	shalt  }
0x71: {  	_ =	shalt  }
0x72: {  	_ =	shalt  }
0x73: {  	_ =	shalt  }
0x74: {  	_ =	shalt  }
0x75: {  	_ =	shalt  }
0x76: {  	_ =	shalt  }
0x77: {  	_ =	shalt  }
0x78: {  	_ =	shalt  }
0x79: {  	_ =	shalt  }
0x7a: {  	_ =	shalt  }
0x7b: {  	_ =	shalt  }
0x7c: {  	_ =	shalt  }
0x7d: {  	_ =	shalt  }
0x7e: {  	_ =	shalt  }
0x7f: {  	_ =	shalt  }
0x80: {  	_ =	shalt  }
0x81: {  	_ =	shalt  }
0x82: {  	_ =	shalt  }
0x83: {  	_ =	shalt  }
0x84: {  	_ =	shalt  }
0x85: {  	_ =	shalt  }
0x86: {  	_ =	shalt  }
0x87: {  	_ =	shalt  }
.Lfunc_end0:
.L_simem_size_0:
called_computation.1_lowered:
.L_overlay_start_0:
0x88: {  	s2 =	sld [smem:$0x3FD9]  }
0x89: {  	s3 =	sld [smem:$0x3FFE];
	_ =	sdelay $0x1  }
0x8a: {  	s1 =	srdreg.scid  }
0x8b: {  	s0 =	sand.u32 $0x1, s1  }
0x8c: {  	s17 =	sshll.u32 s0, $0xA;
	s2 =	sadd.s32 s3, s2  }
0x8d: {  	s2 =	sadd.s32 s2, s17  }
0x8e: {  	[smem:$0x3FC6] =	sst s2  }
0x8f: {  	_ = 	snop  }
0x90: {  	s2 =	sld [smem:$0x3FD0];
	(tm) =	ssettm $0x1  }
0x91: {  	s18 =	sld [smem:$0x3FFB];
	_ =	sdelay $0x3  }
0x92: {  	_ =	strace s18  }
0x93: {  	s3 =	sld [smem:$0x3FFC];
	_ =	sdelay $0x3  }
0x94: {  	_ =	strace s3  }
0x95: {  	s3 =	sld [smem:$0x3FFD];
	_ =	sdelay $0x3  }
0x96: {  	_ =	strace s3  }
0x97: {  	_ =	strace $0x8FFFFFFF  }
0x98: {  	s19 =	sld [smem:$0x3FDB];
	_ =	sdelay $0x1  }
0x99: {  	s4 =	simm.s32 $_scs_section_size  }
0x9a: {  	s5 =	simm.s32 $_size__tile_overlayer_lowered;
	s6 =	simm.s32 $_tile_overlayer_lowered  }
0x9b: {  	s22 =	simm.s32 $0x1BFF;
	s21 =	sshll.u32 s6, $0x1;
	s3 =	sadd.s32 s4, s19  }
0x9c: {  	s7 =	simm.s32 $0x0;
	s20 =	sshll.u32 s5, $0x1;
	s5 =	sadd.s32 s21, s3  }
0x9d: {  	[timem:s7], [sflag:s22] =	dma.local [hbm:s5], s20  }
0x9e: {  	_ =	swait.ge [sflag:s22], s20  }
0x9f: {  	s4 =	ssub.s32 $0x0, s20;
	[sflag:s22] =	ssyncset.done $0x0  }
0xa0: {  	[sflag:s22] =	ssyncadd.s32 s4;
	_ =	sdelay $0x1  }
0xa1: {  	s23 =	simm.s32 $0x1B8B  }
0xa2: {  	_ =	swait.ge [sflag:s23], $0x1  }
0xa3: {  	[sflag:s23] =	ssyncset.done $0x0  }
0xa4: {  	s25 =	simm.s32 $0x1B8E;
	s24 =	sld [smem:$0x3FFE];
	[sflag:s23] =	ssyncadd.s32 $0xFFFFFFFF  }
0xa5: {  	s26 =	simm.s32 $execute0_lowered;
	[smem:$0x3FD2] =	sst s25  }
0xa6: {  	s5 =	sshll.u32 s26, $0x1;
	_ =	strace $0x80000049;
	[dreg:$0x1] =	wrdreg $0xFFFFFFFF  }
0xa7: {  	s28 =	simm.s32 $_size_execute0_lowered;
	s3 =	sadd.s32 s3, s5;
	[dreg:$0x0] =	wrdreg $0x0  }
0xa8: {  	s5 =	sshll.u32 s28, $0x1;
	[dreg:$0x2] =	wrdreg s3  }
0xa9: {  	[dreg:$0x3] =	wrdreg s5  }
0xaa: {  	[dreg:$0x4] =	wrdreg $0xC0  }
0xab: {  	_ =	task [dreg:s7], $0x5FFFF  }
0xac: {  	[dreg:$0x1] =	wrdreg $0xFFFFFFFF  }
0xad: {  	[dreg:$0x0] =	wrdreg $0x60  }
0xae: {  	[dreg:$0x2] =	wrdreg s24  }
0xaf: {  	[dreg:$0x3] =	wrdreg s2  }
0xb0: {  	[dreg:$0x4] =	wrdreg $0x9  }
0xb1: {  	_ =	task.clear_ibuf [dreg:s7], $0x5FFFF;
	_ =	strace $0x90000049  }
0xb2: {  	s29 =	simm.s32 $0x9;
	_ =	strace $0x8000004B  }
0xb3: {  	_ =	swait.ge [sflag:s29], $0x1  }
0xb4: {  	[sflag:s29] =	ssyncadd.s32 $0xFFFFFFFF  }
0xb5: {  	_ =	strace $0x9000004B  }
0xb6: {  	_ =	sfence  }
0xb7: {  	s30 =	sld [smem:$0x0];
	_ =	sdelay $0x2  }
0xb8: {  	s31 =	sshll.u32 s1, $0xD;
	s1 =	sshrl.u32 s1, $0x2  }
0xb9: {  	s3 =	sand.u32 $0x4000, s31;
	s1 =	sadd.s32 s1, s30  }
0xba: {  	s0 =	sor.u32 s3, s0;
	s1 =	sshll.u32 s1, $0x11  }
0xbb: {  	s0 =	sor.u32 s1, s0  }
0xbc: {  	s0 =	sadd.s32 $0x8F2B, s0  }
0xbd: {  	[sflag:s0] =	ssyncadd.remote.s32 $0x1  }
0xbe: {  	_ =	sfence.sel $0xFFFF  }
0xbf: {  	[dreg:$0x0] =	wrdreg $0xFFFFFFFF;
	(pc) =	sbr.abs _section_cstart, $3  }
0xc0: {  	[dreg:$0x1] =	wrdreg $0xFFFFFFFF  }
0xc1: {  	_ =	task.clear_ibuf [dreg:s7], $0x2FFFF;
	_ =	strace $0x9FFFFFFF  }
0xc2: {  	(tm) =	ssettm $0x7FFFFFFF  }
0xc3: {  	_ =	shalt  }
tec
execute0_lowered:
.L_overlay_start_1:
0x0: {  	(tag) =	ssettag $0x1  }
0x1: {  	s0 =	srdreg.scid;
	s4 =	rddreg [dreg:$0x0]  }
0x2: {  	s6 =	rddreg [dreg:$0x1];
	s1 =	stileid.u32;
	s8 =	simm.s32 $0x1  }
0x3: {  	s11 =	simm.s32 $0x80;
	s12 =	simm.s32 $0x8100;
	s5 =	sand.u32 $0x1, s0  }
0x4: {  	s13 =	simm.s32 $0x0;
	s0 =	rddreg [dreg:$0x2];
	s2 =	sshll.u32 s5, $0x4  }
0x5: {  	s3 =	sand.u32 $0x3, s1;
	s31 =	sshll.u32 s1, $0x6;
	s7 =	sor.u32 s1, s2  }
0x6: {  	p1 =	sne.s32 s3, $0x0;
	s3 =	sadd.s32 $0x2008A00, s4;
	p0 =	seq.s32 s7, $0x0  }
0x7: {  	s5 =	ssub.s32 $0x2, s5;
	s2 =	simm.s32 $0x0;
	p0 =	por !p1, !p0  }
0x8: {  	s29 =	sshrl.u32 s5, $0x1;
	[smem:$0x7FF] =	sst s2;
	p0 =	por !p0, !p0  }
0x9: {  	s9 =	sshrl.u32 s7, $0x2;
	s7 =	sshll.u32 s7, $0x3;
	s8 =	simm.s32 @!p0 $0x0  }
0xa: {  	s10 =	ssub.s32 s5, s29;
	s5 =	simm.s32 $0x1;
	s8 =	ssub.s32 s9, s8  }
0xb: {  	_ =	strace $0x8000004A;
	s28 =	sadd.s32 s7, s4;
	s4 =	sshll.u32 s8, $0x8  }
0xc: {  	s7 =	sand.u32 $0xC0, s31;
	s9 =	smax.u32 s10, $0x1;
	s30 =	sshrl.u32 s4, $0x3  }
0xd: {  	s10 =	simm.s32 $0x2;
	s8 =	sadd.s32 $0xA00, s28;
	s6 =	sadd.s32 s6, s30  }
.LBB2_1:
0xe: {  	[tilespmem:s2], [sflag:$0x2] =	stream.linear.gather [hbm4b:s6+s2], $0x100, $0x38;
	[tilespmem:$0x8180] =	vst v63  }
0xf: {  	_ =	swait.ge [sflag:s10], $0x100  }
0x10: {  	[sflag:s10] =	ssyncset.done $0x0  }
0x11: {  	s15 =	sand.u32 $0x80, s2;
	[sflag:s10] =	ssyncadd.s32 $0xFFFFFF00  }
0x12: {  	v0 =	vld [tilespmem:s15+$0x0]  }
0x13: {  	s14 =	simm.s32 $0x0  }
0x14: {  	s14 =	sor.u32 s14, s7  }
0x15: {  	s14 =	sadd.s32 s4, s14  }
0x16: {  	s16 =	sshll.u32 s14, $0xF  }
0x17: {  	s14 =	simm.s32 $0x140;
	v0 =	vadd.s32 s16, v0  }
0x18: {  	[tilespmem:s14+$0xFFFFFFC0] =	vst v0  }
0x19: {  	v0 =	vld [tilespmem:s15+$0x10];
	_ =	sdelay $0x4  }
0x1a: {  	v0 =	vadd.s32 s16, v0  }
0x1b: {  	[tilespmem:s14+$0xFFFFFFD0] =	vst v0  }
0x1c: {  	v0 =	vld [tilespmem:s15+$0x20];
	_ =	sdelay $0x4  }
0x1d: {  	v0 =	vadd.s32 s16, v0  }
0x1e: {  	[tilespmem:s14+$0xFFFFFFE0] =	vst v0  }
0x1f: {  	v0 =	vld [tilespmem:s15+$0x30];
	_ =	sdelay $0x4  }
0x20: {  	v0 =	vadd.s32 s16, v0  }
0x21: {  	[tilespmem:s14+$0xFFFFFFF0] =	vst v0  }
0x22: {  	v0 =	vld [tilespmem:s15+$0x40];
	_ =	sdelay $0x4  }
0x23: {  	v0 =	vadd.s32 s16, v0  }
0x24: {  	[tilespmem:s14+$0x0] =	vst v0  }
0x25: {  	v0 =	vld [tilespmem:s15+$0x50];
	_ =	sdelay $0x4  }
0x26: {  	v0 =	vadd.s32 s16, v0  }
0x27: {  	[tilespmem:s14+$0x10] =	vst v0  }
0x28: {  	v0 =	vld [tilespmem:s15+$0x60];
	_ =	sdelay $0x4  }
0x29: {  	v0 =	vadd.s32 s16, v0  }
0x2a: {  	[tilespmem:s14+$0x20] =	vst v0  }
0x2b: {  	v0 =	vld [tilespmem:s15+$0x70];
	_ =	sdelay $0x4  }
0x2c: {  	s17 =	simm.s32 $0x80;
	v0 =	vadd.s32 s16, v0  }
0x2d: {  	s18 =	simm.s32 $0x2;
	s15 =	sand.u32 $0x80, s17;
	s16 =	simm.s32 $0x1;
	[tilespmem:s14+$0x30] =	vst v0  }
.LBB2_2:
0x2e: {  	p0 =	sne.s32 s18, $0x7F;
	v0 =	vld [tilespmem:s15+$0x0]  }
0x2f: {  	s19 =	sshrl.u32 s16, $0x1;
	s16 =	smov.u32 s18  }
0x30: {  	s19 =	sor.u32 s19, s7  }
0x31: {  	s19 =	sadd.s32 s4, s19  }
0x32: {  	s19 =	sshll.u32 s19, $0xF  }
0x33: {  	s14 =	sadd.s32 $0x80, s14;
	v0 =	vadd.s32 s19, v0  }
0x34: {  	[tilespmem:s14+$0xFFFFFFC0] =	vst v0  }
0x35: {  	v0 =	vld [tilespmem:s15+$0x10];
	_ =	sdelay $0x4  }
0x36: {  	v0 =	vadd.s32 s19, v0  }
0x37: {  	[tilespmem:s14+$0xFFFFFFD0] =	vst v0  }
0x38: {  	v0 =	vld [tilespmem:s15+$0x20];
	_ =	sdelay $0x4  }
0x39: {  	v0 =	vadd.s32 s19, v0  }
0x3a: {  	[tilespmem:s14+$0xFFFFFFE0] =	vst v0  }
0x3b: {  	v0 =	vld [tilespmem:s15+$0x30];
	_ =	sdelay $0x4  }
0x3c: {  	v0 =	vadd.s32 s19, v0  }
0x3d: {  	[tilespmem:s14+$0xFFFFFFF0] =	vst v0  }
0x3e: {  	v0 =	vld [tilespmem:s15+$0x40];
	_ =	sdelay $0x4  }
0x3f: {  	v0 =	vadd.s32 s19, v0  }
0x40: {  	[tilespmem:s14+$0x0] =	vst v0  }
0x41: {  	v0 =	vld [tilespmem:s15+$0x50];
	_ =	sdelay $0x4  }
0x42: {  	v0 =	vadd.s32 s19, v0  }
0x43: {  	[tilespmem:s14+$0x10] =	vst v0  }
0x44: {  	v0 =	vld [tilespmem:s15+$0x60];
	_ =	sdelay $0x4  }
0x45: {  	v0 =	vadd.s32 s19, v0  }
0x46: {  	[tilespmem:s14+$0x20] =	vst v0  }
0x47: {  	v0 =	vld [tilespmem:s15+$0x70];
	_ =	sdelay $0x1  }
.Ltmp0:
0x48: {  	(pc) =	sbr.rel @p0 .LBB2_2-.Ltmp0, $3  }
0x49: {  	_ =	sdelay $0x1  }
0x4a: {  	s17 =	sadd.s32 $0x80, s17;
	v0 =	vadd.s32 s19, v0  }
0x4b: {  	s18 =	sadd.s32 $0x1, s18;
	s15 =	sand.u32 $0x80, s17;
	[tilespmem:s14+$0x30] =	vst v0  }
0x4c: {  	v0 =	vld [tilespmem:s15+$0x0]  }
0x4d: {  	s16 =	sshrl.u32 s16, $0x1  }
0x4e: {  	s16 =	sor.u32 s16, s7  }
0x4f: {  	s16 =	sadd.s32 s4, s16  }
0x50: {  	s16 =	sshll.u32 s16, $0xF  }
0x51: {  	s14 =	sadd.s32 $0x80, s14;
	v0 =	vadd.s32 s16, v0  }
0x52: {  	[tilespmem:s14+$0xFFFFFFC0] =	vst v0  }
0x53: {  	v0 =	vld [tilespmem:s15+$0x10];
	_ =	sdelay $0x4  }
0x54: {  	v0 =	vadd.s32 s16, v0  }
0x55: {  	[tilespmem:s14+$0xFFFFFFD0] =	vst v0  }
0x56: {  	v0 =	vld [tilespmem:s15+$0x20];
	_ =	sdelay $0x4  }
0x57: {  	v0 =	vadd.s32 s16, v0  }
0x58: {  	[tilespmem:s14+$0xFFFFFFE0] =	vst v0  }
0x59: {  	v0 =	vld [tilespmem:s15+$0x30];
	_ =	sdelay $0x4  }
0x5a: {  	v0 =	vadd.s32 s16, v0  }
0x5b: {  	[tilespmem:s14+$0xFFFFFFF0] =	vst v0  }
0x5c: {  	v0 =	vld [tilespmem:s15+$0x40];
	_ =	sdelay $0x4  }
0x5d: {  	v0 =	vadd.s32 s16, v0  }
0x5e: {  	[tilespmem:s14+$0x0] =	vst v0  }
0x5f: {  	v0 =	vld [tilespmem:s15+$0x50];
	_ =	sdelay $0x4  }
0x60: {  	v0 =	vadd.s32 s16, v0  }
0x61: {  	[tilespmem:s14+$0x10] =	vst v0  }
0x62: {  	v0 =	vld [tilespmem:s15+$0x60];
	_ =	sdelay $0x4  }
0x63: {  	v0 =	vadd.s32 s16, v0  }
0x64: {  	[tilespmem:s14+$0x20] =	vst v0  }
0x65: {  	v0 =	vld [tilespmem:s15+$0x70]  }
0x66: {  	p1 =	por $0x1, $0x1  }
.Ltmp1:
0x67: {  	_ = 	snop;
	(pc) =	sbr.rel @!p1 .LBB2_6-.Ltmp1, $3  }
0x68: {  	_ =	sdelay $0x1  }
0x69: {  	v0 =	vadd.s32 s16, v0  }
0x6a: {  	s17 =	simm.s32 $0x0;
	p0 =	por $0x0, $0x0;
	[tilespmem:s14+$0x30] =	vst v0;
	s14 =	simm.s32 $0x0  }
0x6b: {  	s15 =	simm.s32 $0x4100;
	s16 =	simm.s32 $0x100  }
0x6c: {  	[tilespmem:s15], [sflag:$0x1] =	stream.indirect.gather [hbm4b:s3+s11], $0x1, s16, s11, $0xb8;
	[tilespmem:$0x8180] =	vst v63  }
0x6d: {  	s17 =	simm.s32 $0x4180;
	s18 =	simm.s32 $0x180  }
0x6e: {  	[tilespmem:s17], [sflag:$0x1] =	stream.indirect.gather [hbm4b:s3+s11], $0x1, s18, s11, $0xb8;
	[tilespmem:$0x8180] =	vst v63  }
0x6f: {  	s19 =	simm.s32 $0x4200;
	s20 =	simm.s32 $0x200  }
0x70: {  	[tilespmem:s19], [sflag:$0x1] =	stream.indirect.gather [hbm4b:s3+s11], $0x1, s20, s11, $0xb8;
	[tilespmem:$0x8180] =	vst v63  }
0x71: {  	s21 =	simm.s32 $0x4280;
	s22 =	simm.s32 $0x280  }
0x72: {  	[tilespmem:s21], [sflag:$0x1] =	stream.indirect.gather [hbm4b:s3+s11], $0x1, s22, s11, $0xb8;
	[tilespmem:$0x8180] =	vst v63  }
0x73: {  	s23 =	simm.s32 $0x4300;
	s24 =	simm.s32 $0x300  }
0x74: {  	[tilespmem:s23], [sflag:$0x1] =	stream.indirect.gather [hbm4b:s3+s11], $0x1, s24, s11, $0xb8;
	[tilespmem:$0x8180] =	vst v63  }
0x75: {  	s25 =	simm.s32 $0x4380;
	s26 =	simm.s32 $0x380  }
0x76: {  	[tilespmem:s25], [sflag:$0x1] =	stream.indirect.gather [hbm4b:s3+s11], $0x1, s26, s11, $0xb8;
	[tilespmem:$0x8180] =	vst v63  }
0x77: {  	s28 =	simm.s32 $0x4400;
	s29 =	simm.s32 $0x400  }
0x78: {  	[tilespmem:s28], [sflag:$0x1] =	stream.indirect.gather [hbm4b:s3+s11], $0x1, s29, s11, $0xb8;
	[tilespmem:$0x8180] =	vst v63  }
0x79: {  	s30 =	simm.s32 $0x4480;
	s31 =	simm.s32 $0x480  }
0x7a: {  	[tilespmem:s30], [sflag:$0x1] =	stream.indirect.gather [hbm4b:s3+s11], $0x1, s31, s11, $0xb8;
	[tilespmem:$0x8180] =	vst v63  }
0x7b: {  	_ =	swait.ge [sflag:s5], $0x80  }
0x7c: {  	[sflag:s5] =	ssyncset.done $0x0  }
0x7d: {  	[sflag:s5] =	ssyncadd.s32 $0xFFFFFF80  }
0x7e: {  	_ =	swait.ge [sflag:s5], $0x80  }
0x7f: {  	[sflag:s5] =	ssyncset.done $0x0  }
0x80: {  	[sflag:s5] =	ssyncadd.s32 $0xFFFFFF80  }
0x81: {  	_ =	swait.ge [sflag:s5], $0x80  }
0x82: {  	[sflag:s5] =	ssyncset.done $0x0  }
0x83: {  	[sflag:s5] =	ssyncadd.s32 $0xFFFFFF80  }
0x84: {  	_ =	swait.ge [sflag:s5], $0x80  }
0x85: {  	[sflag:s5] =	ssyncset.done $0x0  }
0x86: {  	[sflag:s5] =	ssyncadd.s32 $0xFFFFFF80  }
0x87: {  	_ =	swait.ge [sflag:s5], $0x80  }
0x88: {  	[sflag:s5] =	ssyncset.done $0x0  }
0x89: {  	[sflag:s5] =	ssyncadd.s32 $0xFFFFFF80  }
0x8a: {  	_ =	swait.ge [sflag:s5], $0x80  }
0x8b: {  	[sflag:s5] =	ssyncset.done $0x0  }
0x8c: {  	p1 =	por $0x1, $0x1;
	[sflag:s5] =	ssyncadd.s32 $0xFFFFFF80  }
.Ltmp2:
0x8d: {  	_ =	swait.ge [sflag:s5], $0x80;
	(pc) =	sbr.rel @!p1 .LBB2_6-.Ltmp2, $4  }
0x8e: {  	[sflag:s5] =	ssyncset.done $0x0  }
0x8f: {  	[sflag:s5] =	ssyncadd.s32 $0xFFFFFF80  }
0x90: {  	p0 =	por $0x1, $0x1;
	_ =	swait.ge [sflag:s5], $0x80  }
0x91: {  	s18 =	simm.s32 $0x2000;
	s17 =	simm.s32 $0x400;
	[sflag:s5] =	ssyncset.done $0x0  }
.LBB2_5:
0x92: {  	s16 =	sadd.s32 $0x4100, s17  }
0x93: {  	s19 =	sadd.s32 $0x100, s17;
	[sflag:s5] =	ssyncadd.s32 $0xFFFFFF80;
	s15 =	smov.u32 s18  }
0x94: {  	[tilespmem:s16], [sflag:$0x1] =	stream.indirect.gather [hbm4b:s3+s11], $0x1, s19, s11, $0xb8;
	[tilespmem:$0x8180] =	vst v63  }
0x95: {  	s20 =	sadd.s32 $0x180, s17;
	s16 =	sadd.s32 $0x1000, s18;
	s19 =	sadd.s32 $0x4180, s17  }
0x96: {  	[tilespmem:s19], [sflag:$0x1] =	stream.indirect.gather [hbm4b:s3+s11], $0x1, s20, s11, $0xb8;
	[tilespmem:$0x8180] =	vst v63  }
0x97: {  	p1 =	sne.s32 s18, $0xF000;
	s18 =	sadd.s32 $0x4200, s17;
	s19 =	sadd.s32 $0x200, s17  }
0x98: {  	[tilespmem:s18], [sflag:$0x1] =	stream.indirect.gather [hbm4b:s3+s11], $0x1, s19, s11, $0xb8;
	[tilespmem:$0x8180] =	vst v63  }
0x99: {  	s18 =	sadd.s32 $0x4280, s17;
	s19 =	sadd.s32 $0x280, s17  }
0x9a: {  	[tilespmem:s18], [sflag:$0x1] =	stream.indirect.gather [hbm4b:s3+s11], $0x1, s19, s11, $0xb8;
	[tilespmem:$0x8180] =	vst v63  }
0x9b: {  	s18 =	sadd.s32 $0x4300, s17;
	s19 =	sadd.s32 $0x300, s17  }
0x9c: {  	[tilespmem:s18], [sflag:$0x1] =	stream.indirect.gather [hbm4b:s3+s11], $0x1, s19, s11, $0xb8;
	[tilespmem:$0x8180] =	vst v63  }
0x9d: {  	s18 =	sadd.s32 $0x4380, s17;
	s19 =	sadd.s32 $0x380, s17  }
0x9e: {  	[tilespmem:s18], [sflag:$0x1] =	stream.indirect.gather [hbm4b:s3+s11], $0x1, s19, s11, $0xb8;
	[tilespmem:$0x8180] =	vst v63  }
0x9f: {  	s18 =	sadd.s32 $0x4400, s17;
	s19 =	sadd.s32 $0x400, s17  }
0xa0: {  	[tilespmem:s18], [sflag:$0x1] =	stream.indirect.gather [hbm4b:s3+s11], $0x1, s19, s11, $0xb8;
	[tilespmem:$0x8180] =	vst v63  }
0xa1: {  	s18 =	sadd.s32 $0x4480, s17;
	s17 =	sadd.s32 $0x480, s17  }
0xa2: {  	[tilespmem:s18], [sflag:$0x1] =	stream.indirect.gather [hbm4b:s3+s11], $0x1, s17, s11, $0xb8;
	[tilespmem:$0x8180] =	vst v63  }
0xa3: {  	_ =	swait.ge [sflag:s5], $0x80  }
0xa4: {  	[sflag:s5] =	ssyncset.done $0x0  }
0xa5: {  	[sflag:s5] =	ssyncadd.s32 $0xFFFFFF80  }
0xa6: {  	_ =	swait.ge [sflag:s5], $0x80  }
0xa7: {  	[sflag:s5] =	ssyncset.done $0x0  }
0xa8: {  	[sflag:s5] =	ssyncadd.s32 $0xFFFFFF80  }
0xa9: {  	_ =	swait.ge [sflag:s5], $0x80  }
0xaa: {  	[sflag:s5] =	ssyncset.done $0x0  }
0xab: {  	[sflag:s5] =	ssyncadd.s32 $0xFFFFFF80  }
0xac: {  	_ =	swait.ge [sflag:s5], $0x80  }
0xad: {  	[sflag:s5] =	ssyncset.done $0x0  }
0xae: {  	[sflag:s5] =	ssyncadd.s32 $0xFFFFFF80  }
0xaf: {  	_ =	swait.ge [sflag:s5], $0x80  }
0xb0: {  	[sflag:s5] =	ssyncset.done $0x0  }
0xb1: {  	[sflag:s5] =	ssyncadd.s32 $0xFFFFFF80  }
0xb2: {  	_ =	swait.ge [sflag:s5], $0x80  }
0xb3: {  	[sflag:s5] =	ssyncset.done $0x0  }
0xb4: {  	[sflag:s5] =	ssyncadd.s32 $0xFFFFFF80  }
.Ltmp3:
0xb5: {  	_ =	swait.ge [sflag:s5], $0x80;
	(pc) =	sbr.rel @p1 .LBB2_5-.Ltmp3, $4  }
0xb6: {  	[sflag:s5] =	ssyncset.done $0x0  }
0xb7: {  	[sflag:s5] =	ssyncadd.s32 $0xFFFFFF80  }
0xb8: {  	_ =	swait.ge [sflag:s5], $0x80  }
0xb9: {  	s17 =	sshra.s32 s15, $0x2;
	s18 =	smov.u32 s16;
	[sflag:s5] =	ssyncset.done $0x0  }
.LBB2_6:
0xba: {  	s15 =	sadd.s32 $0x4100, s17;
	s16 =	sadd.s32 $0x100, s17;
	[sflag:s5] =	ssyncadd.s32 @p0 $0xFFFFFF80  }
0xbb: {  	[tilespmem:s15], [sflag:$0x1] =	stream.indirect.gather [hbm4b:s3+s11], $0x1, s16, s11, $0xb8;
	[tilespmem:$0x8180] =	vst v63  }
0xbc: {  	s18 =	sadd.s32 $0x180, s17;
	s16 =	sadd.s32 $0x4180, s17  }
0xbd: {  	[tilespmem:s16], [sflag:$0x1] =	stream.indirect.gather [hbm4b:s3+s11], $0x1, s18, s11, $0xb8;
	[tilespmem:$0x8180] =	vst v63  }
0xbe: {  	s19 =	sadd.s32 $0x4200, s17;
	s20 =	sadd.s32 $0x200, s17  }
0xbf: {  	[tilespmem:s19], [sflag:$0x1] =	stream.indirect.gather [hbm4b:s3+s11], $0x1, s20, s11, $0xb8;
	[tilespmem:$0x8180] =	vst v63  }
0xc0: {  	s21 =	sadd.s32 $0x4280, s17;
	s22 =	sadd.s32 $0x280, s17  }
0xc1: {  	[tilespmem:s21], [sflag:$0x1] =	stream.indirect.gather [hbm4b:s3+s11], $0x1, s22, s11, $0xb8;
	[tilespmem:$0x8180] =	vst v63  }
0xc2: {  	s23 =	sadd.s32 $0x4300, s17;
	s24 =	sadd.s32 $0x300, s17  }
0xc3: {  	[tilespmem:s23], [sflag:$0x1] =	stream.indirect.gather [hbm4b:s3+s11], $0x1, s24, s11, $0xb8;
	[tilespmem:$0x8180] =	vst v63  }
0xc4: {  	s25 =	sadd.s32 $0x4380, s17;
	s26 =	sadd.s32 $0x380, s17  }
0xc5: {  	[tilespmem:s25], [sflag:$0x1] =	stream.indirect.gather [hbm4b:s3+s11], $0x1, s26, s11, $0xb8;
	[tilespmem:$0x8180] =	vst v63  }
0xc6: {  	s28 =	sadd.s32 $0x4400, s17;
	s29 =	sadd.s32 $0x400, s17  }
0xc7: {  	[tilespmem:s28], [sflag:$0x1] =	stream.indirect.gather [hbm4b:s3+s11], $0x1, s29, s11, $0xb8;
	[tilespmem:$0x8180] =	vst v63  }
0xc8: {  	s30 =	sadd.s32 $0x4480, s17;
	s31 =	sadd.s32 $0x480, s17  }
0xc9: {  	[tilespmem:s30], [sflag:$0x1] =	stream.indirect.gather [hbm4b:s3+s11], $0x1, s31, s11, $0xb8;
	[tilespmem:$0x8180] =	vst v63  }
0xca: {  	_ =	swait.ge [sflag:s5], $0x80  }
0xcb: {  	[sflag:s5] =	ssyncset.done $0x0  }
0xcc: {  	[sflag:s5] =	ssyncadd.s32 $0xFFFFFF80  }
0xcd: {  	_ =	swait.ge [sflag:s5], $0x80  }
0xce: {  	[sflag:s5] =	ssyncset.done $0x0  }
0xcf: {  	[sflag:s5] =	ssyncadd.s32 $0xFFFFFF80  }
0xd0: {  	_ =	swait.ge [sflag:s5], $0x80  }
0xd1: {  	[sflag:s5] =	ssyncset.done $0x0  }
0xd2: {  	[sflag:s5] =	ssyncadd.s32 $0xFFFFFF80  }
0xd3: {  	_ =	swait.ge [sflag:s5], $0x80  }
0xd4: {  	[sflag:s5] =	ssyncset.done $0x0  }
0xd5: {  	[sflag:s5] =	ssyncadd.s32 $0xFFFFFF80  }
0xd6: {  	_ =	swait.ge [sflag:s5], $0x80  }
0xd7: {  	[sflag:s5] =	ssyncset.done $0x0  }
0xd8: {  	[sflag:s5] =	ssyncadd.s32 $0xFFFFFF80  }
0xd9: {  	_ =	swait.ge [sflag:s5], $0x80  }
0xda: {  	[sflag:s5] =	ssyncset.done $0x0  }
0xdb: {  	[sflag:s5] =	ssyncadd.s32 $0xFFFFFF80  }
0xdc: {  	_ =	swait.ge [sflag:s5], $0x80  }
0xdd: {  	p0 =	por $0x1, $0x1;
	[sflag:s5] =	ssyncset.done $0x0  }
.Ltmp4:
0xde: {  	[sflag:s5] =	ssyncadd.s32 $0xFFFFFF80;
	(pc) =	sbr.rel @!p0 .LBB2_8-.Ltmp4, $4  }
0xdf: {  	_ =	swait.ge [sflag:s5], $0x80  }
0xe0: {  	[sflag:s5] =	ssyncset.done $0x0  }
0xe1: {  	s15 =	simm.s32 $0x4180;
	[sflag:s5] =	ssyncadd.s32 $0xFFFFFF80  }
0xe2: {  	s16 =	simm.s32 $0x1;
	v0 =	vld [tilespmem:s15+$0xFFFFFF80]  }
.LBB2_7:
0xe3: {  	p0 =	sne.s32 s16, $0x3F  }
0xe4: {  	v1 =	vld [tilespmem:s15+$0xFFFFFF90];
	_ =	sdelay $0x1  }
0xe5: {  	v2 =	vld [tilespmem:s15+$0xFFFFFFA0]  }
0xe6: {  	v0 =	vadd.f32 $0.0e+00, v0  }
0xe7: {  	v3 =	vld [tilespmem:s15+$0xFFFFFFB0]  }
0xe8: {  	v0 =	vadd.f32 v1, v0  }
0xe9: {  	v1 =	vld [tilespmem:s15+$0xFFFFFFC0]  }
0xea: {  	v0 =	vadd.f32 v2, v0  }
0xeb: {  	v2 =	vld [tilespmem:s15+$0xFFFFFFD0]  }
0xec: {  	v0 =	vadd.f32 v3, v0  }
0xed: {  	v3 =	vld [tilespmem:s15+$0xFFFFFFE0]  }
0xee: {  	v0 =	vadd.f32 v1, v0  }
0xef: {  	v1 =	vld [tilespmem:s15+$0xFFFFFFF0]  }
0xf0: {  	v0 =	vadd.f32 v2, v0  }
0xf1: {  	v2 =	vld [tilespmem:s15+$0x0]  }
0xf2: {  	v0 =	vadd.f32 v3, v0  }
0xf3: {  	v3 =	vld [tilespmem:s15+$0x10]  }
0xf4: {  	v0 =	vadd.f32 v1, v0  }
0xf5: {  	v1 =	vld [tilespmem:s15+$0x20]  }
0xf6: {  	v0 =	vadd.f32 v2, v0  }
0xf7: {  	v2 =	vld [tilespmem:s15+$0x30]  }
0xf8: {  	v0 =	vadd.f32 v3, v0  }
0xf9: {  	v3 =	vld [tilespmem:s15+$0x40]  }
0xfa: {  	v0 =	vadd.f32 v1, v0  }
0xfb: {  	v1 =	vld [tilespmem:s15+$0x50]  }
0xfc: {  	v0 =	vadd.f32 v2, v0  }
0xfd: {  	v2 =	vld [tilespmem:s15+$0x60]  }
0xfe: {  	v0 =	vadd.f32 v3, v0  }
0xff: {  	v3 =	vld [tilespmem:s15+$0x70]  }
0x100: {  	v0 =	vadd.f32 v1, v0;
	_ =	sdelay $0x1  }
0x101: {  	v0 =	vadd.f32 v2, v0;
	_ =	sdelay $0x1  }
0x102: {  	v0 =	vadd.f32 v3, v0;
	_ =	sdelay $0x1  }
0x103: {  	(xrf2) =	vadd.scan.msk.f32 $0xffff, v0;
	_ =	sdelay $0x9  }
0x104: {  	v0, _, _ =	vpop (xrf2)  }
0x105: {  	(v2sf) =	vpush v0, $0xF;
	_ =	sdelay $0xe  }
0x106: {  	s17 =	spop (v2sf)  }
0x107: {  	s17 =	smul.f32 $3.906250000e-03, s17;
	_ =	sdelay $0x1  }
0x108: {  	v0 =	vmov s14;
	s14 =	smov.u32 s16;
	v1 =	vmov s17  }
0x109: {  	v1 =	vadd.f32 $0.0e+00, v1  }
.Ltmp5:
0x10a: {  	(pc) =	sbr.rel @p0 .LBB2_7-.Ltmp5, $3  }
0x10b: {  	v1 =	vbroadcast v1, $0x0;
	_ =	sdelay $0x1  }
0x10c: {  	s15 =	sadd.s32 $0x100, s15;
	[tilespmem:v0+s12+$0x0] =	vst.idx.msk $0x1, v1  }
0x10d: {  	s16 =	sadd.s32 $0x1, s16;
	v0 =	vld [tilespmem:s15+$0xFFFFFF80]  }
.LBB2_8:
0x10e: {  	_ = 	snop  }
0x10f: {  	v1 =	vld [tilespmem:s15+$0xFFFFFF90];
	_ =	sdelay $0x1  }
0x110: {  	v2 =	vld [tilespmem:s15+$0xFFFFFFA0]  }
0x111: {  	v0 =	vadd.f32 $0.0e+00, v0  }
0x112: {  	v3 =	vld [tilespmem:s15+$0xFFFFFFB0]  }
0x113: {  	v0 =	vadd.f32 v1, v0  }
0x114: {  	v50 =	vld [tilespmem:s15+$0xFFFFFFC0]  }
0x115: {  	v0 =	vadd.f32 v2, v0  }
0x116: {  	v51 =	vld [tilespmem:s15+$0xFFFFFFD0]  }
0x117: {  	v0 =	vadd.f32 v3, v0  }
0x118: {  	v52 =	vld [tilespmem:s15+$0xFFFFFFE0]  }
0x119: {  	v0 =	vadd.f32 v50, v0  }
0x11a: {  	v53 =	vld [tilespmem:s15+$0xFFFFFFF0]  }
0x11b: {  	v0 =	vadd.f32 v51, v0  }
0x11c: {  	v54 =	vld [tilespmem:s15+$0x0]  }
0x11d: {  	v0 =	vadd.f32 v52, v0  }
0x11e: {  	v55 =	vld [tilespmem:s15+$0x10]  }
0x11f: {  	v0 =	vadd.f32 v53, v0  }
0x120: {  	v56 =	vld [tilespmem:s15+$0x20]  }
0x121: {  	v0 =	vadd.f32 v54, v0  }
0x122: {  	v57 =	vld [tilespmem:s15+$0x30]  }
0x123: {  	v0 =	vadd.f32 v55, v0  }
0x124: {  	v58 =	vld [tilespmem:s15+$0x40]  }
0x125: {  	v0 =	vadd.f32 v56, v0  }
0x126: {  	v59 =	vld [tilespmem:s15+$0x50]  }
0x127: {  	v0 =	vadd.f32 v57, v0  }
0x128: {  	v60 =	vld [tilespmem:s15+$0x60]  }
0x129: {  	v0 =	vadd.f32 v58, v0  }
0x12a: {  	v61 =	vld [tilespmem:s15+$0x70]  }
0x12b: {  	v0 =	vadd.f32 v59, v0;
	_ =	sdelay $0x1  }
0x12c: {  	v0 =	vadd.f32 v60, v0;
	_ =	sdelay $0x1  }
0x12d: {  	v0 =	vadd.f32 v61, v0;
	_ =	sdelay $0x1  }
0x12e: {  	(xrf2) =	vadd.scan.msk.f32 $0xffff, v0;
	_ =	sdelay $0x9  }
0x12f: {  	v0, _, _ =	vpop (xrf2)  }
0x130: {  	(v2sf) =	vpush v0, $0xF;
	_ =	sdelay $0xe  }
0x131: {  	s31 =	spop (v2sf)  }
0x132: {  	s15 =	smul.f32 $3.906250000e-03, s31;
	_ =	sdelay $0x1  }
0x133: {  	v62 =	vmov s14;
	v63 =	vmov s15  }
0x134: {  	v1 =	vadd.f32 $0.0e+00, v63;
	_ =	sdelay $0x1  }
0x135: {  	s13 =	sadd.s32 $0x1, s13;
	v1 =	vbroadcast v1, $0x0  }
0x136: {  	p0 =	sne.s32 s13, s9  }
.Ltmp6:
0x137: {  	[tilespmem:v62+s12+$0x0] =	vst.idx.msk $0x1, v1;
	(pc) =	sbr.rel @p0 .LBB2_1-.Ltmp6, $4  }
0x138: {  	[hbm4b:s8+s2] =	stream.linear.scatter [tilespmem:s12], [sflag:$0x2], $0x40, $0x38;
	[tilespmem:$0x8180] =	vst v63  }
0x139: {  	_ =	swait.ge [sflag:s10], $0x40  }
0x13a: {  	[sflag:s10] =	ssyncset.done $0x0  }
0x13b: {  	[sflag:s10] =	ssyncadd.s32 $0xFFFFFFC0  }
0x13c: {  	_ =	sfence.sel $0x180000  }
0x13d: {  	[bflag:$0x0] =	sbarrier.arrive $0xFFFF  }
0x13e: {  	p0 =	sne.s32 s1, $0x0;
	_ =	strace $0x9000004A  }
0x13f: {  	s0 =	sadd.s32 @!p0 $0x100000, s0;
	[bflag:$0x2] =	sbarrier.arrive $0xFFFF  }
0x140: {  	[sflag:s0] =	ssyncadd.tile.s32 @!p0 $0x1;
	_ =	shalt  }
.Lfunc_end2:
_tile_overlayer_lowered:
.L_overlay_start_2:
0x141: {  	(tag) =	ssettag $0x2  }
0x142: {  	s0 =	rddreg [dreg:$0x0];
	s2 =	stileid.u32  }
0x143: {  	s1 =	rddreg [dreg:$0x1];
	p0 =	sne.s32 s2, $0x0  }
0x144: {  	s3 =	rddreg [dreg:$0x2];
	[bflag:$0x3] =	sbarrier.arrive $0xFFFF;
	s2 =	simm.s32 @!p0 $0x1C02  }
0x145: {  	[timem:s3], [sflag:s2] =	dma.local @!p0 [hbm:s0], s1  }
0x146: {  	s0 =	simm.s32 @!p0 $0x2  }
0x147: {  	_ =	swait.ge @!p0 [sflag:s0], s1  }
0x148: {  	s1 =	ssub.s32 @!p0 $0x0, s1;
	[sflag:s0] =	ssyncset.done @!p0 $0x0  }
0x149: {  	[sflag:s0] =	ssyncadd.s32 @!p0 s1  }
0x14a: {  	[bflag:$0x3] =	sbarrier.arrive $0xFFFF  }
0x14b: {  	_ =	shalt  }

</sc_bundles>
